<compile_context>
chip_gen: v7x
topology: tpu7x:2x2x1
jax: 0.10.2.dev20260603
libtpu: 0.0.44.dev20260713+nightly
codegen_flags: <defaults>
</compile_context>

<pallas_src>
import jax
import jax.numpy as jnp
from jax import lax
from jax.experimental import pallas as pl
from jax.experimental.pallas import tpu as pltpu
from jax.experimental.pallas import tpu_sc as plsc

B, T, V, D = 1024, 20, 1000, 64
VP = 1024
TP = 32
NC, NS, L = 2, 16, 16
NW = NC * NS
RW = B // NW
VTAIL = V - (V // L) * L


def _scores_kernel(ein_ref, eout_ref, ew_ref):
    w = lax.dot_general(
        ein_ref[...], eout_ref[...],
        dimension_numbers=(((1,), (1,)), ((), ())),
        preferred_element_type=jnp.float32)
    ew_ref[...] = jnp.exp(w)


def _gather_kernel(inp_hbm, ew_hbm, voc_hbm, tgt_hbm,
                   dnm_hbm, sxp_hbm,
                   inp_v, erow_v, voc_v, tgt_v, dnm_v, sxp_v, sem, sem2):
    wid = lax.axis_index("s") * NC + lax.axis_index("c")
    base = wid * RW
    half = RW // 2

    pltpu.sync_copy(inp_hbm.at[pl.ds(base, RW)], inp_v)
    gat = pltpu.async_copy(ew_hbm.at[inp_v.at[pl.ds(0, half)]],
                           erow_v.at[pl.ds(0, half)], sem)
    gat2 = pltpu.async_copy(ew_hbm.at[inp_v.at[pl.ds(half, half)]],
                            erow_v.at[pl.ds(half, half)], sem2)
    pltpu.sync_copy(voc_hbm.at[pl.ds(base, RW)], voc_v)
    pltpu.sync_copy(tgt_hbm.at[pl.ds(base, RW)], tgt_v)
    lane = lax.iota(jnp.int32, L)
    gat.wait()

    def row_body(b, carry):
        rowsplat = jnp.full((L,), b, jnp.int32)

        def chunk(j, acc):
            col = jnp.full((L,), j * L, jnp.int32) + lane
            cidx = plsc.load_gather(voc_v, [rowsplat, col])
            return acc + plsc.load_gather(erow_v, [rowsplat, cidx])

        acc = lax.fori_loop(0, V // L, chunk,
                            jnp.zeros((L,), jnp.float32), unroll=4)
        col = jnp.minimum(jnp.full((L,), (V // L) * L, jnp.int32) + lane,
                          V - 1)
        cidx = plsc.load_gather(voc_v, [rowsplat, col])
        tailv = plsc.load_gather(erow_v, [rowsplat, cidx])
        acc = acc + jnp.where(lane < VTAIL, tailv, 0.0)
        plsc.store_scatter(dnm_v, [rowsplat, lane], acc)

        tidx = plsc.load_gather(tgt_v, [rowsplat, jnp.minimum(lane, T - 1)])
        plsc.store_scatter(sxp_v, [rowsplat, lane],
                           plsc.load_gather(erow_v, [rowsplat, tidx]))
        tidx = plsc.load_gather(tgt_v,
                                [rowsplat, jnp.minimum(lane + L, T - 1)])
        plsc.store_scatter(sxp_v, [rowsplat, lane + L],
                           plsc.load_gather(erow_v, [rowsplat, tidx]))
        return carry

    lax.fori_loop(0, half, row_body, 0)
    gat2.wait()
    lax.fori_loop(half, RW, row_body, 0)

    pltpu.sync_copy(dnm_v, dnm_hbm.at[pl.ds(base, RW)])
    pltpu.sync_copy(sxp_v, sxp_hbm.at[pl.ds(base, RW)])


def _loss_kernel(dnm_ref, sxp_ref, out_ref):
    denom = jnp.sum(dnm_ref[...], axis=1, keepdims=True)
    l_denom = jnp.sum(jnp.log(denom))
    col = lax.broadcasted_iota(jnp.int32, (B, TP), 1)
    se = jnp.where(col < T, sxp_ref[...], 1.0)
    l_scores = jnp.sum(jnp.log(se))
    out_ref[...] = jnp.reshape(l_denom / B - l_scores / (B * T), (1, 1))


@jax.jit
def kernel(inputs, targets, vocab, emb_in, emb_out):
    inp = inputs.reshape(B).astype(jnp.int32)
    voc = vocab.astype(jnp.int32)
    tgt = targets.astype(jnp.int32)
    eout = jnp.pad(emb_out, ((0, VP - V), (0, 0)))

    ew = pl.pallas_call(
        _scores_kernel,
        out_shape=jax.ShapeDtypeStruct((V, VP), jnp.float32),
    )(emb_in, eout)

    mesh = plsc.VectorSubcoreMesh(core_axis_name="c", subcore_axis_name="s",
                                  num_cores=NC, num_subcores=NS)
    dnm, sxp = pl.kernel(
        _gather_kernel,
        mesh=mesh,
        compiler_params=pltpu.CompilerParams(use_tc_tiling_on_sc=True,
                                             needs_layout_passes=False),
        out_type=[jax.ShapeDtypeStruct((B, L), jnp.float32),
                  jax.ShapeDtypeStruct((B, TP), jnp.float32)],
        scratch_types=[
            pltpu.VMEM((RW,), jnp.int32),
            pltpu.VMEM((RW, VP), jnp.float32),
            pltpu.VMEM((RW, V), jnp.int32),
            pltpu.VMEM((RW, T), jnp.int32),
            pltpu.VMEM((RW, L), jnp.float32),
            pltpu.VMEM((RW, TP), jnp.float32),
            pltpu.SemaphoreType.DMA,
            pltpu.SemaphoreType.DMA,
        ],
    )(inp, ew, voc, tgt)

    loss = pl.pallas_call(
        _loss_kernel,
        out_shape=jax.ShapeDtypeStruct((1, 1), jnp.float32),
    )(dnm, sxp)
    return loss[0, 0]

# --- scband reference (transcript-rebuilt; emitter-appended) ---
"""Pipeline reference for scband-skig-gram-softmax-14396730376289 (READ-ONLY COPY).

The authoritative reference and input builder live on the scoring server;
editing this copy changes nothing except your own understanding.
"""

import jax, jax.numpy as jnp
import numpy as np

B, T, V, D = 1024, 20, 1000, 64

def setup_inputs(seed: int = 0) -> dict:
    key = jax.random.key(seed)
    k1, k2, k3, k4, k5 = jax.random.split(key, 5)
    inputs = jax.random.randint(k1, (B, 1), 0, V)
    targets = jax.random.randint(k2, (B, T), 0, V)
    vocab = jax.random.randint(k3, (B, V), 0, V)
    emb_in = jax.random.normal(k4, (V, D), dtype=jnp.float32) * 0.1
    emb_out = jax.random.normal(k5, (V, D), dtype=jnp.float32) * 0.1
    return {"inputs": inputs, "targets": targets, "vocab": vocab,
            "emb_in": emb_in, "emb_out": emb_out}

def reference(inputs, targets, vocab, emb_in, emb_out):
    # embedding lookups (gather)
    v = jnp.take(emb_in, inputs, axis=0)        # [B, 1, D]
    u = jnp.take(emb_out, targets, axis=0)      # [B, T, D]
    y_norm = jnp.take(emb_out, vocab, axis=0)   # [B, V, D]
    vt = jnp.swapaxes(v, 1, 2)                  # [B, D, 1]
    scores = jnp.squeeze(jnp.matmul(u, vt), -1)        # [B, T]
    scores_norm = jnpp_sum = jnp.squeeze(jnp.matmul(y_norm, vt), -1)  # [B, V]
    denom = jnp.sum(jnp.exp(scores_norm), axis=1)[:, None]  # [B, 1]
    prob = jnp.exp(scores) / denom
    return -jnp.mean(jnp.log(prob))

if __name__ == "__main__":
    import jax
    _d = setup_inputs()
    print(jax.jit(kernel)(*tuple(_d.values())))

</pallas_src>

<mosaic_0001>
#map = affine_map<(d0, d1) -> (0)>
#map1 = affine_map<(d0, d1) -> (0, 0)>
module attributes {stable_mosaic.version = 14 : i64} {
  func.func @_gather_kernel(%arg0: i32, %arg1: i32, %arg2: memref<1024xi32, #tpu.memory_space<hbm>>, %arg3: memref<1000x1024xf32, #tpu.memory_space<hbm>>, %arg4: memref<1024x1000xi32, #tpu.memory_space<hbm>>, %arg5: memref<1024x20xi32, #tpu.memory_space<hbm>>, %arg6: memref<1024x16xf32, #tpu.memory_space<hbm>>, %arg7: memref<1024x32xf32, #tpu.memory_space<hbm>>, %arg8: memref<32xi32, #tpu.memory_space<vmem>>, %arg9: memref<32x1024xf32, #tpu.memory_space<vmem>>, %arg10: memref<32x1000xi32, #tpu.memory_space<vmem>>, %arg11: memref<32x20xi32, #tpu.memory_space<vmem>>, %arg12: memref<32x16xf32, #tpu.memory_space<vmem>>, %arg13: memref<32x32xf32, #tpu.memory_space<vmem>>, %arg14: memref<!tpu.dma_semaphore, #tpu.memory_space<semaphore_mem>>, %arg15: memref<!tpu.dma_semaphore, #tpu.memory_space<semaphore_mem>>) attributes {dimension_semantics = [#tpu.dimension_semantics<core_parallel>, #tpu.dimension_semantics<subcore_parallel>], iteration_bounds = array<i64: 2, 16>, scalar_prefetch = 0 : i64, scratch_operands = 8 : i64, tpu.core_type = #tpu.core_type<sc_vector_subcore>, window_params = [{transform_indices = #map}, {transform_indices = #map1}, {transform_indices = #map1}, {transform_indices = #map1}, {transform_indices = #map1}, {transform_indices = #map1}]} {
    %mul3A = arith.constant 2 : i32
    %mul3A_0 = arith.muli %arg1, %mul3A : i32
    %add3A = arith.addi %mul3A_0, %arg0 : i32
    %mul3A_1 = arith.constant 32 : i32
    %mul3A_2 = arith.muli %add3A, %mul3A_1 : i32
    "tpu.region"() ({
      %run_scoped3A = tpu.sem_alloc : memref<!tpu.dma_semaphore, #tpu.memory_space<semaphore_mem>>
      %dma_start3A_44 = tpu.memref_slice %arg2[%mul3A_2] : memref<1024xi32, #tpu.memory_space<hbm>> -> memref<32xi32, #tpu.memory_space<hbm>>
      %dma_start3A_45 = tpu.memref_slice %arg2[%mul3A_2] : memref<1024xi32, #tpu.memory_space<hbm>> -> memref<32xi32, #tpu.memory_space<hbm>>
      tpu.enqueue_dma source(%dma_start3A_45 : memref<32xi32, #tpu.memory_space<hbm>>) target(%arg8 : memref<32xi32, #tpu.memory_space<vmem>>) target_semaphore(%run_scoped3A : memref<!tpu.dma_semaphore, #tpu.memory_space<semaphore_mem>>)
      %dma_wait3A_46 = tpu.memref_slice %arg2[%mul3A_2] : memref<1024xi32, #tpu.memory_space<hbm>> -> memref<32xi32, #tpu.memory_space<hbm>>
      %dma_wait3A_47 = tpu.memref_slice %arg2[%mul3A_2] : memref<1024xi32, #tpu.memory_space<hbm>> -> memref<32xi32, #tpu.memory_space<hbm>>
      tpu.wait_dma2 semaphore(%run_scoped3A : memref<!tpu.dma_semaphore, #tpu.memory_space<semaphore_mem>>) src(%dma_wait3A_47 : memref<32xi32, #tpu.memory_space<hbm>>) dst(%arg8 : memref<32xi32, #tpu.memory_space<vmem>>)
      tpu.yield
    }) : () -> ()
    %dma_start3A = arith.constant 0 : i32
    %dma_start3A_3 = arith.constant 0 : i32
    %dma_start3A_4 = tpu.memref_slice %arg9[%dma_start3A, %dma_start3A_3] : memref<32x1024xf32, #tpu.memory_space<vmem>> -> memref<16x1024xf32, #tpu.memory_space<vmem>>
    %dma_start3A_5 = arith.constant 0 : i32
    %dma_start3A_6 = tpu.memref_slice %arg8[%dma_start3A_5] : memref<32xi32, #tpu.memory_space<vmem>> -> memref<16xi32, #tpu.memory_space<vmem>>
    %dma_start3A_7 = arith.constant 0 : i32
    %dma_start3A_8 = arith.constant 0 : i32
    %dma_start3A_9 = tpu.memref_slice %arg3[%dma_start3A_7, %dma_start3A_8] : memref<1000x1024xf32, #tpu.memory_space<hbm>> -> memref<1000x1024xf32, #tpu.memory_space<hbm>>
    tpu.enqueue_indirect_dma source(%dma_start3A_9 : memref<1000x1024xf32, #tpu.memory_space<hbm>>) target(%dma_start3A_4 : memref<16x1024xf32, #tpu.memory_space<vmem>>) offsets(%dma_start3A_6 : memref<16xi32, #tpu.memory_space<vmem>>) semaphore(%arg14 : memref<!tpu.dma_semaphore, #tpu.memory_space<semaphore_mem>>)
    %dma_start3A_10 = arith.constant 16 : i32
    %dma_start3A_11 = arith.constant 0 : i32
    %dma_start3A_12 = tpu.memref_slice %arg9[%dma_start3A_10, %dma_start3A_11] : memref<32x1024xf32, #tpu.memory_space<vmem>> -> memref<16x1024xf32, #tpu.memory_space<vmem>>
    %dma_start3A_13 = arith.constant 16 : i32
    %dma_start3A_14 = tpu.memref_slice %arg8[%dma_start3A_13] : memref<32xi32, #tpu.memory_space<vmem>> -> memref<16xi32, #tpu.memory_space<vmem>>
    %dma_start3A_15 = arith.constant 0 : i32
    %dma_start3A_16 = arith.constant 0 : i32
    %dma_start3A_17 = tpu.memref_slice %arg3[%dma_start3A_15, %dma_start3A_16] : memref<1000x1024xf32, #tpu.memory_space<hbm>> -> memref<1000x1024xf32, #tpu.memory_space<hbm>>
    tpu.enqueue_indirect_dma source(%dma_start3A_17 : memref<1000x1024xf32, #tpu.memory_space<hbm>>) target(%dma_start3A_12 : memref<16x1024xf32, #tpu.memory_space<vmem>>) offsets(%dma_start3A_14 : memref<16xi32, #tpu.memory_space<vmem>>) semaphore(%arg15 : memref<!tpu.dma_semaphore, #tpu.memory_space<semaphore_mem>>)
    "tpu.region"() ({
      %run_scoped3A = tpu.sem_alloc : memref<!tpu.dma_semaphore, #tpu.memory_space<semaphore_mem>>
      %dma_start3A_44 = arith.constant 0 : i32
      %dma_start3A_45 = tpu.memref_slice %arg4[%mul3A_2, %dma_start3A_44] : memref<1024x1000xi32, #tpu.memory_space<hbm>> -> memref<32x1000xi32, #tpu.memory_space<hbm>>
      %dma_start3A_46 = arith.constant 0 : i32
      %dma_start3A_47 = tpu.memref_slice %arg4[%mul3A_2, %dma_start3A_46] : memref<1024x1000xi32, #tpu.memory_space<hbm>> -> memref<32x1000xi32, #tpu.memory_space<hbm>>
      tpu.enqueue_dma source(%dma_start3A_47 : memref<32x1000xi32, #tpu.memory_space<hbm>>) target(%arg10 : memref<32x1000xi32, #tpu.memory_space<vmem>>) target_semaphore(%run_scoped3A : memref<!tpu.dma_semaphore, #tpu.memory_space<semaphore_mem>>)
      %dma_wait3A_48 = arith.constant 0 : i32
      %dma_wait3A_49 = tpu.memref_slice %arg4[%mul3A_2, %dma_wait3A_48] : memref<1024x1000xi32, #tpu.memory_space<hbm>> -> memref<32x1000xi32, #tpu.memory_space<hbm>>
      %dma_wait3A_50 = arith.constant 0 : i32
      %dma_wait3A_51 = tpu.memref_slice %arg4[%mul3A_2, %dma_wait3A_50] : memref<1024x1000xi32, #tpu.memory_space<hbm>> -> memref<32x1000xi32, #tpu.memory_space<hbm>>
      tpu.wait_dma2 semaphore(%run_scoped3A : memref<!tpu.dma_semaphore, #tpu.memory_space<semaphore_mem>>) src(%dma_wait3A_51 : memref<32x1000xi32, #tpu.memory_space<hbm>>) dst(%arg10 : memref<32x1000xi32, #tpu.memory_space<vmem>>)
      tpu.yield
    }) : () -> ()
    "tpu.region"() ({
      %run_scoped3A = tpu.sem_alloc : memref<!tpu.dma_semaphore, #tpu.memory_space<semaphore_mem>>
      %dma_start3A_44 = arith.constant 0 : i32
      %dma_start3A_45 = tpu.memref_slice %arg5[%mul3A_2, %dma_start3A_44] : memref<1024x20xi32, #tpu.memory_space<hbm>> -> memref<32x20xi32, #tpu.memory_space<hbm>>
      %dma_start3A_46 = arith.constant 0 : i32
      %dma_start3A_47 = tpu.memref_slice %arg5[%mul3A_2, %dma_start3A_46] : memref<1024x20xi32, #tpu.memory_space<hbm>> -> memref<32x20xi32, #tpu.memory_space<hbm>>
      tpu.enqueue_dma source(%dma_start3A_47 : memref<32x20xi32, #tpu.memory_space<hbm>>) target(%arg11 : memref<32x20xi32, #tpu.memory_space<vmem>>) target_semaphore(%run_scoped3A : memref<!tpu.dma_semaphore, #tpu.memory_space<semaphore_mem>>)
      %dma_wait3A_48 = arith.constant 0 : i32
      %dma_wait3A_49 = tpu.memref_slice %arg5[%mul3A_2, %dma_wait3A_48] : memref<1024x20xi32, #tpu.memory_space<hbm>> -> memref<32x20xi32, #tpu.memory_space<hbm>>
      %dma_wait3A_50 = arith.constant 0 : i32
      %dma_wait3A_51 = tpu.memref_slice %arg5[%mul3A_2, %dma_wait3A_50] : memref<1024x20xi32, #tpu.memory_space<hbm>> -> memref<32x20xi32, #tpu.memory_space<hbm>>
      tpu.wait_dma2 semaphore(%run_scoped3A : memref<!tpu.dma_semaphore, #tpu.memory_space<semaphore_mem>>) src(%dma_wait3A_51 : memref<32x20xi32, #tpu.memory_space<hbm>>) dst(%arg11 : memref<32x20xi32, #tpu.memory_space<vmem>>)
      tpu.yield
    }) : () -> ()
    %iota3A = tpu.iota {dimensions = array<i32: 0>} : vector<16xi32>
    %dma_wait3A = arith.constant 0 : i32
    %dma_wait3A_18 = arith.constant 0 : i32
    %dma_wait3A_19 = tpu.memref_slice %arg9[%dma_wait3A, %dma_wait3A_18] : memref<32x1024xf32, #tpu.memory_space<vmem>> -> memref<16x1024xf32, #tpu.memory_space<vmem>>
    %dma_wait3A_20 = arith.constant 0 : i32
    %dma_wait3A_21 = tpu.memref_slice %arg8[%dma_wait3A_20] : memref<32xi32, #tpu.memory_space<vmem>> -> memref<16xi32, #tpu.memory_space<vmem>>
    %dma_wait3A_22 = arith.constant 0 : i32
    %dma_wait3A_23 = arith.constant 0 : i32
    %dma_wait3A_24 = tpu.memref_slice %arg3[%dma_wait3A_22, %dma_wait3A_23] : memref<1000x1024xf32, #tpu.memory_space<hbm>> -> memref<1000x1024xf32, #tpu.memory_space<hbm>>
    tpu.wait_indirect_dma semaphore(%arg14 : memref<!tpu.dma_semaphore, #tpu.memory_space<semaphore_mem>>) src(%dma_wait3A_24 : memref<1000x1024xf32, #tpu.memory_space<hbm>>) dst(%dma_wait3A_19 : memref<16x1024xf32, #tpu.memory_space<vmem>>)
    %scan3A = arith.constant 0 : i32
    %scan3A_25 = arith.constant 0 : i32
    %scan3A_26 = arith.constant 16 : i32
    %scan3A_27 = arith.addi %scan3A_25, %scan3A_26 : i32
    %scan3A_28 = arith.constant 1 : i32
    scf.for %scan3A_44 = %scan3A_25 to %scan3A_27 step %scan3A_28  : i32 {
      %broadcast_in_dim3A = vector.broadcast %scan3A_44 : i32 to vector<16xi32>
      %broadcast_in_dim3A_45 = arith.constant 0.000000e+00 : f32
      %broadcast_in_dim3A_46 = vector.broadcast %broadcast_in_dim3A_45 : f32 to vector<16xf32>
      %scan3A_47 = arith.constant 0 : i32
      %scan3A_48 = arith.constant 60 : i32
      %scan3A_49 = arith.addi %scan3A_47, %scan3A_48 : i32
      %scan3A_50 = arith.constant 4 : i32
      %scan3A_51 = scf.for %scan3A_97 = %scan3A_47 to %scan3A_49 step %scan3A_50 iter_args(%scan3A_98 = %broadcast_in_dim3A_46) -> (vector<16xf32>)  : i32 {
        %mul3A_99 = arith.constant 16 : i32
        %mul3A_100 = arith.muli %scan3A_97, %mul3A_99 : i32
        %broadcast_in_dim3A_101 = vector.broadcast %mul3A_100 : i32 to vector<16xi32>
        %add3A_102 = arith.addi %broadcast_in_dim3A_101, %iota3A : vector<16xi32>
        %gather3A_103 = tpu.vector_load_idx %arg10[%broadcast_in_dim3A, %add3A_102] : memref<32x1000xi32, #tpu.memory_space<vmem>>[vector<16xi32>, vector<16xi32>], vector<16xi32>,
        %gather3A_104 = tpu.vector_load_idx %arg9[%broadcast_in_dim3A, %gather3A_103] : memref<32x1024xf32, #tpu.memory_space<vmem>>[vector<16xi32>, vector<16xi32>], vector<16xf32>,
        %add3A_105 = arith.addf %scan3A_98, %gather3A_104 : vector<16xf32>
        %scan3A_106 = arith.constant 1 : i32
        %scan3A_107 = arith.addi %scan3A_97, %scan3A_106 : i32
        %mul3A_108 = arith.constant 16 : i32
        %mul3A_109 = arith.muli %scan3A_107, %mul3A_108 : i32
        %broadcast_in_dim3A_110 = vector.broadcast %mul3A_109 : i32 to vector<16xi32>
        %add3A_111 = arith.addi %broadcast_in_dim3A_110, %iota3A : vector<16xi32>
        %gather3A_112 = tpu.vector_load_idx %arg10[%broadcast_in_dim3A, %add3A_111] : memref<32x1000xi32, #tpu.memory_space<vmem>>[vector<16xi32>, vector<16xi32>], vector<16xi32>,
        %gather3A_113 = tpu.vector_load_idx %arg9[%broadcast_in_dim3A, %gather3A_112] : memref<32x1024xf32, #tpu.memory_space<vmem>>[vector<16xi32>, vector<16xi32>], vector<16xf32>,
        %add3A_114 = arith.addf %add3A_105, %gather3A_113 : vector<16xf32>
        %scan3A_115 = arith.constant 2 : i32
        %scan3A_116 = arith.addi %scan3A_97, %scan3A_115 : i32
        %mul3A_117 = arith.constant 16 : i32
        %mul3A_118 = arith.muli %scan3A_116, %mul3A_117 : i32
        %broadcast_in_dim3A_119 = vector.broadcast %mul3A_118 : i32 to vector<16xi32>
        %add3A_120 = arith.addi %broadcast_in_dim3A_119, %iota3A : vector<16xi32>
        %gather3A_121 = tpu.vector_load_idx %arg10[%broadcast_in_dim3A, %add3A_120] : memref<32x1000xi32, #tpu.memory_space<vmem>>[vector<16xi32>, vector<16xi32>], vector<16xi32>,
        %gather3A_122 = tpu.vector_load_idx %arg9[%broadcast_in_dim3A, %gather3A_121] : memref<32x1024xf32, #tpu.memory_space<vmem>>[vector<16xi32>, vector<16xi32>], vector<16xf32>,
        %add3A_123 = arith.addf %add3A_114, %gather3A_122 : vector<16xf32>
        %scan3A_124 = arith.constant 3 : i32
        %scan3A_125 = arith.addi %scan3A_97, %scan3A_124 : i32
        %mul3A_126 = arith.constant 16 : i32
        %mul3A_127 = arith.muli %scan3A_125, %mul3A_126 : i32
        %broadcast_in_dim3A_128 = vector.broadcast %mul3A_127 : i32 to vector<16xi32>
        %add3A_129 = arith.addi %broadcast_in_dim3A_128, %iota3A : vector<16xi32>
        %gather3A_130 = tpu.vector_load_idx %arg10[%broadcast_in_dim3A, %add3A_129] : memref<32x1000xi32, #tpu.memory_space<vmem>>[vector<16xi32>, vector<16xi32>], vector<16xi32>,
        %gather3A_131 = tpu.vector_load_idx %arg9[%broadcast_in_dim3A, %gather3A_130] : memref<32x1024xf32, #tpu.memory_space<vmem>>[vector<16xi32>, vector<16xi32>], vector<16xf32>,
        %add3A_132 = arith.addf %add3A_123, %gather3A_131 : vector<16xf32>
        scf.yield %add3A_132 : vector<16xf32>
      }
      %scan3A_52 = arith.constant 60 : i32
      %scan3A_53 = arith.addi %scan3A_47, %scan3A_52 : i32
      %mul3A_54 = arith.constant 16 : i32
      %mul3A_55 = arith.muli %scan3A_53, %mul3A_54 : i32
      %broadcast_in_dim3A_56 = vector.broadcast %mul3A_55 : i32 to vector<16xi32>
      %add3A_57 = arith.addi %broadcast_in_dim3A_56, %iota3A : vector<16xi32>
      %gather3A = tpu.vector_load_idx %arg10[%broadcast_in_dim3A, %add3A_57] : memref<32x1000xi32, #tpu.memory_space<vmem>>[vector<16xi32>, vector<16xi32>], vector<16xi32>,
      %gather3A_58 = tpu.vector_load_idx %arg9[%broadcast_in_dim3A, %gather3A] : memref<32x1024xf32, #tpu.memory_space<vmem>>[vector<16xi32>, vector<16xi32>], vector<16xf32>,
      %add3A_59 = arith.addf %scan3A_51, %gather3A_58 : vector<16xf32>
      %scan3A_60 = arith.constant 61 : i32
      %scan3A_61 = arith.addi %scan3A_47, %scan3A_60 : i32
      %mul3A_62 = arith.constant 16 : i32
      %mul3A_63 = arith.muli %scan3A_61, %mul3A_62 : i32
      %broadcast_in_dim3A_64 = vector.broadcast %mul3A_63 : i32 to vector<16xi32>
      %add3A_65 = arith.addi %broadcast_in_dim3A_64, %iota3A : vector<16xi32>
      %gather3A_66 = tpu.vector_load_idx %arg10[%broadcast_in_dim3A, %add3A_65] : memref<32x1000xi32, #tpu.memory_space<vmem>>[vector<16xi32>, vector<16xi32>], vector<16xi32>,
      %gather3A_67 = tpu.vector_load_idx %arg9[%broadcast_in_dim3A, %gather3A_66] : memref<32x1024xf32, #tpu.memory_space<vmem>>[vector<16xi32>, vector<16xi32>], vector<16xf32>,
      %add3A_68 = arith.addf %add3A_59, %gather3A_67 : vector<16xf32>
      %scan3A_69 = arith.constant 62 : i32
      %broadcast_in_dim3A_70 = arith.constant 992 : i32
      %broadcast_in_dim3A_71 = vector.broadcast %broadcast_in_dim3A_70 : i32 to vector<16xi32>
      %add3A_72 = arith.addi %broadcast_in_dim3A_71, %iota3A : vector<16xi32>
      %min3A = arith.constant 999 : i32
      %min3A_73 = vector.broadcast %min3A : i32 to vector<16xi32>
      %min3A_74 = arith.minsi %add3A_72, %min3A_73 : vector<16xi32>
      %gather3A_75 = tpu.vector_load_idx %arg10[%broadcast_in_dim3A, %min3A_74] : memref<32x1000xi32, #tpu.memory_space<vmem>>[vector<16xi32>, vector<16xi32>], vector<16xi32>,
      %gather3A_76 = tpu.vector_load_idx %arg9[%broadcast_in_dim3A, %gather3A_75] : memref<32x1024xf32, #tpu.memory_space<vmem>>[vector<16xi32>, vector<16xi32>], vector<16xf32>,
      %lt3A = arith.constant 8 : i32
      %lt3A_77 = vector.broadcast %lt3A : i32 to vector<16xi32>
      %lt3A_78 = arith.cmpi slt, %iota3A, %lt3A_77 : vector<16xi32>
      %jit3A = arith.constant 0.000000e+00 : f32
      %broadcast_in_dim3A_79 = vector.broadcast %jit3A : f32 to vector<16xf32>
      %select_n3A = arith.select %lt3A_78, %gather3A_76, %broadcast_in_dim3A_79 : vector<16xi1>, vector<16xf32>
      %add3A_80 = arith.addf %add3A_68, %select_n3A : vector<16xf32>
      tpu.vector_store_idx %arg12[%broadcast_in_dim3A, %iota3A], %add3A_80 : memref<32x16xf32, #tpu.memory_space<vmem>>[vector<16xi32>, vector<16xi32>], vector<16xf32>,
      %min3A_81 = arith.constant 19 : i32
      %min3A_82 = vector.broadcast %min3A_81 : i32 to vector<16xi32>
      %min3A_83 = arith.minsi %iota3A, %min3A_82 : vector<16xi32>
      %gather3A_84 = tpu.vector_load_idx %arg11[%broadcast_in_dim3A, %min3A_83] : memref<32x20xi32, #tpu.memory_space<vmem>>[vector<16xi32>, vector<16xi32>], vector<16xi32>,
      %gather3A_85 = tpu.vector_load_idx %arg9[%broadcast_in_dim3A, %gather3A_84] : memref<32x1024xf32, #tpu.memory_space<vmem>>[vector<16xi32>, vector<16xi32>], vector<16xf32>,
      tpu.vector_store_idx %arg13[%broadcast_in_dim3A, %iota3A], %gather3A_85 : memref<32x32xf32, #tpu.memory_space<vmem>>[vector<16xi32>, vector<16xi32>], vector<16xf32>,
      %add3A_86 = arith.constant 16 : i32
      %add3A_87 = vector.broadcast %add3A_86 : i32 to vector<16xi32>
      %add3A_88 = arith.addi %iota3A, %add3A_87 : vector<16xi32>
      %min3A_89 = arith.constant 19 : i32
      %min3A_90 = vector.broadcast %min3A_89 : i32 to vector<16xi32>
      %min3A_91 = arith.minsi %add3A_88, %min3A_90 : vector<16xi32>
      %gather3A_92 = tpu.vector_load_idx %arg11[%broadcast_in_dim3A, %min3A_91] : memref<32x20xi32, #tpu.memory_space<vmem>>[vector<16xi32>, vector<16xi32>], vector<16xi32>,
      %add3A_93 = arith.constant 16 : i32
      %add3A_94 = vector.broadcast %add3A_93 : i32 to vector<16xi32>
      %add3A_95 = arith.addi %iota3A, %add3A_94 : vector<16xi32>
      %gather3A_96 = tpu.vector_load_idx %arg9[%broadcast_in_dim3A, %gather3A_92] : memref<32x1024xf32, #tpu.memory_space<vmem>>[vector<16xi32>, vector<16xi32>], vector<16xf32>,
      tpu.vector_store_idx %arg13[%broadcast_in_dim3A, %add3A_95], %gather3A_96 : memref<32x32xf32, #tpu.memory_space<vmem>>[vector<16xi32>, vector<16xi32>], vector<16xf32>,
    }
    %scan3A_29 = arith.constant 16 : i32
    %dma_wait3A_30 = arith.constant 16 : i32
    %dma_wait3A_31 = arith.constant 0 : i32
    %dma_wait3A_32 = tpu.memref_slice %arg9[%dma_wait3A_30, %dma_wait3A_31] : memref<32x1024xf32, #tpu.memory_space<vmem>> -> memref<16x1024xf32, #tpu.memory_space<vmem>>
    %dma_wait3A_33 = arith.constant 16 : i32
    %dma_wait3A_34 = tpu.memref_slice %arg8[%dma_wait3A_33] : memref<32xi32, #tpu.memory_space<vmem>> -> memref<16xi32, #tpu.memory_space<vmem>>
    %dma_wait3A_35 = arith.constant 0 : i32
    %dma_wait3A_36 = arith.constant 0 : i32
    %dma_wait3A_37 = tpu.memref_slice %arg3[%dma_wait3A_35, %dma_wait3A_36] : memref<1000x1024xf32, #tpu.memory_space<hbm>> -> memref<1000x1024xf32, #tpu.memory_space<hbm>>
    tpu.wait_indirect_dma semaphore(%arg15 : memref<!tpu.dma_semaphore, #tpu.memory_space<semaphore_mem>>) src(%dma_wait3A_37 : memref<1000x1024xf32, #tpu.memory_space<hbm>>) dst(%dma_wait3A_32 : memref<16x1024xf32, #tpu.memory_space<vmem>>)
    %scan3A_38 = arith.constant 0 : i32
    %scan3A_39 = arith.constant 16 : i32
    %scan3A_40 = arith.constant 16 : i32
    %scan3A_41 = arith.addi %scan3A_39, %scan3A_40 : i32
    %scan3A_42 = arith.constant 1 : i32
    scf.for %scan3A_44 = %scan3A_39 to %scan3A_41 step %scan3A_42  : i32 {
      %broadcast_in_dim3A = vector.broadcast %scan3A_44 : i32 to vector<16xi32>
      %broadcast_in_dim3A_45 = arith.constant 0.000000e+00 : f32
      %broadcast_in_dim3A_46 = vector.broadcast %broadcast_in_dim3A_45 : f32 to vector<16xf32>
      %scan3A_47 = arith.constant 0 : i32
      %scan3A_48 = arith.constant 60 : i32
      %scan3A_49 = arith.addi %scan3A_47, %scan3A_48 : i32
      %scan3A_50 = arith.constant 4 : i32
      %scan3A_51 = scf.for %scan3A_97 = %scan3A_47 to %scan3A_49 step %scan3A_50 iter_args(%scan3A_98 = %broadcast_in_dim3A_46) -> (vector<16xf32>)  : i32 {
        %mul3A_99 = arith.constant 16 : i32
        %mul3A_100 = arith.muli %scan3A_97, %mul3A_99 : i32
        %broadcast_in_dim3A_101 = vector.broadcast %mul3A_100 : i32 to vector<16xi32>
        %add3A_102 = arith.addi %broadcast_in_dim3A_101, %iota3A : vector<16xi32>
        %gather3A_103 = tpu.vector_load_idx %arg10[%broadcast_in_dim3A, %add3A_102] : memref<32x1000xi32, #tpu.memory_space<vmem>>[vector<16xi32>, vector<16xi32>], vector<16xi32>,
        %gather3A_104 = tpu.vector_load_idx %arg9[%broadcast_in_dim3A, %gather3A_103] : memref<32x1024xf32, #tpu.memory_space<vmem>>[vector<16xi32>, vector<16xi32>], vector<16xf32>,
        %add3A_105 = arith.addf %scan3A_98, %gather3A_104 : vector<16xf32>
        %scan3A_106 = arith.constant 1 : i32
        %scan3A_107 = arith.addi %scan3A_97, %scan3A_106 : i32
        %mul3A_108 = arith.constant 16 : i32
        %mul3A_109 = arith.muli %scan3A_107, %mul3A_108 : i32
        %broadcast_in_dim3A_110 = vector.broadcast %mul3A_109 : i32 to vector<16xi32>
        %add3A_111 = arith.addi %broadcast_in_dim3A_110, %iota3A : vector<16xi32>
        %gather3A_112 = tpu.vector_load_idx %arg10[%broadcast_in_dim3A, %add3A_111] : memref<32x1000xi32, #tpu.memory_space<vmem>>[vector<16xi32>, vector<16xi32>], vector<16xi32>,
        %gather3A_113 = tpu.vector_load_idx %arg9[%broadcast_in_dim3A, %gather3A_112] : memref<32x1024xf32, #tpu.memory_space<vmem>>[vector<16xi32>, vector<16xi32>], vector<16xf32>,
        %add3A_114 = arith.addf %add3A_105, %gather3A_113 : vector<16xf32>
        %scan3A_115 = arith.constant 2 : i32
        %scan3A_116 = arith.addi %scan3A_97, %scan3A_115 : i32
        %mul3A_117 = arith.constant 16 : i32
        %mul3A_118 = arith.muli %scan3A_116, %mul3A_117 : i32
        %broadcast_in_dim3A_119 = vector.broadcast %mul3A_118 : i32 to vector<16xi32>
        %add3A_120 = arith.addi %broadcast_in_dim3A_119, %iota3A : vector<16xi32>
        %gather3A_121 = tpu.vector_load_idx %arg10[%broadcast_in_dim3A, %add3A_120] : memref<32x1000xi32, #tpu.memory_space<vmem>>[vector<16xi32>, vector<16xi32>], vector<16xi32>,
        %gather3A_122 = tpu.vector_load_idx %arg9[%broadcast_in_dim3A, %gather3A_121] : memref<32x1024xf32, #tpu.memory_space<vmem>>[vector<16xi32>, vector<16xi32>], vector<16xf32>,
        %add3A_123 = arith.addf %add3A_114, %gather3A_122 : vector<16xf32>
        %scan3A_124 = arith.constant 3 : i32
        %scan3A_125 = arith.addi %scan3A_97, %scan3A_124 : i32
        %mul3A_126 = arith.constant 16 : i32
        %mul3A_127 = arith.muli %scan3A_125, %mul3A_126 : i32
        %broadcast_in_dim3A_128 = vector.broadcast %mul3A_127 : i32 to vector<16xi32>
        %add3A_129 = arith.addi %broadcast_in_dim3A_128, %iota3A : vector<16xi32>
        %gather3A_130 = tpu.vector_load_idx %arg10[%broadcast_in_dim3A, %add3A_129] : memref<32x1000xi32, #tpu.memory_space<vmem>>[vector<16xi32>, vector<16xi32>], vector<16xi32>,
        %gather3A_131 = tpu.vector_load_idx %arg9[%broadcast_in_dim3A, %gather3A_130] : memref<32x1024xf32, #tpu.memory_space<vmem>>[vector<16xi32>, vector<16xi32>], vector<16xf32>,
        %add3A_132 = arith.addf %add3A_123, %gather3A_131 : vector<16xf32>
        scf.yield %add3A_132 : vector<16xf32>
      }
      %scan3A_52 = arith.constant 60 : i32
      %scan3A_53 = arith.addi %scan3A_47, %scan3A_52 : i32
      %mul3A_54 = arith.constant 16 : i32
      %mul3A_55 = arith.muli %scan3A_53, %mul3A_54 : i32
      %broadcast_in_dim3A_56 = vector.broadcast %mul3A_55 : i32 to vector<16xi32>
      %add3A_57 = arith.addi %broadcast_in_dim3A_56, %iota3A : vector<16xi32>
      %gather3A = tpu.vector_load_idx %arg10[%broadcast_in_dim3A, %add3A_57] : memref<32x1000xi32, #tpu.memory_space<vmem>>[vector<16xi32>, vector<16xi32>], vector<16xi32>,
      %gather3A_58 = tpu.vector_load_idx %arg9[%broadcast_in_dim3A, %gather3A] : memref<32x1024xf32, #tpu.memory_space<vmem>>[vector<16xi32>, vector<16xi32>], vector<16xf32>,
      %add3A_59 = arith.addf %scan3A_51, %gather3A_58 : vector<16xf32>
      %scan3A_60 = arith.constant 61 : i32
      %scan3A_61 = arith.addi %scan3A_47, %scan3A_60 : i32
      %mul3A_62 = arith.constant 16 : i32
      %mul3A_63 = arith.muli %scan3A_61, %mul3A_62 : i32
      %broadcast_in_dim3A_64 = vector.broadcast %mul3A_63 : i32 to vector<16xi32>
      %add3A_65 = arith.addi %broadcast_in_dim3A_64, %iota3A : vector<16xi32>
      %gather3A_66 = tpu.vector_load_idx %arg10[%broadcast_in_dim3A, %add3A_65] : memref<32x1000xi32, #tpu.memory_space<vmem>>[vector<16xi32>, vector<16xi32>], vector<16xi32>,
      %gather3A_67 = tpu.vector_load_idx %arg9[%broadcast_in_dim3A, %gather3A_66] : memref<32x1024xf32, #tpu.memory_space<vmem>>[vector<16xi32>, vector<16xi32>], vector<16xf32>,
      %add3A_68 = arith.addf %add3A_59, %gather3A_67 : vector<16xf32>
      %scan3A_69 = arith.constant 62 : i32
      %broadcast_in_dim3A_70 = arith.constant 992 : i32
      %broadcast_in_dim3A_71 = vector.broadcast %broadcast_in_dim3A_70 : i32 to vector<16xi32>
      %add3A_72 = arith.addi %broadcast_in_dim3A_71, %iota3A : vector<16xi32>
      %min3A = arith.constant 999 : i32
      %min3A_73 = vector.broadcast %min3A : i32 to vector<16xi32>
      %min3A_74 = arith.minsi %add3A_72, %min3A_73 : vector<16xi32>
      %gather3A_75 = tpu.vector_load_idx %arg10[%broadcast_in_dim3A, %min3A_74] : memref<32x1000xi32, #tpu.memory_space<vmem>>[vector<16xi32>, vector<16xi32>], vector<16xi32>,
      %gather3A_76 = tpu.vector_load_idx %arg9[%broadcast_in_dim3A, %gather3A_75] : memref<32x1024xf32, #tpu.memory_space<vmem>>[vector<16xi32>, vector<16xi32>], vector<16xf32>,
      %lt3A = arith.constant 8 : i32
      %lt3A_77 = vector.broadcast %lt3A : i32 to vector<16xi32>
      %lt3A_78 = arith.cmpi slt, %iota3A, %lt3A_77 : vector<16xi32>
      %jit3A = arith.constant 0.000000e+00 : f32
      %broadcast_in_dim3A_79 = vector.broadcast %jit3A : f32 to vector<16xf32>
      %select_n3A = arith.select %lt3A_78, %gather3A_76, %broadcast_in_dim3A_79 : vector<16xi1>, vector<16xf32>
      %add3A_80 = arith.addf %add3A_68, %select_n3A : vector<16xf32>
      tpu.vector_store_idx %arg12[%broadcast_in_dim3A, %iota3A], %add3A_80 : memref<32x16xf32, #tpu.memory_space<vmem>>[vector<16xi32>, vector<16xi32>], vector<16xf32>,
      %min3A_81 = arith.constant 19 : i32
      %min3A_82 = vector.broadcast %min3A_81 : i32 to vector<16xi32>
      %min3A_83 = arith.minsi %iota3A, %min3A_82 : vector<16xi32>
      %gather3A_84 = tpu.vector_load_idx %arg11[%broadcast_in_dim3A, %min3A_83] : memref<32x20xi32, #tpu.memory_space<vmem>>[vector<16xi32>, vector<16xi32>], vector<16xi32>,
      %gather3A_85 = tpu.vector_load_idx %arg9[%broadcast_in_dim3A, %gather3A_84] : memref<32x1024xf32, #tpu.memory_space<vmem>>[vector<16xi32>, vector<16xi32>], vector<16xf32>,
      tpu.vector_store_idx %arg13[%broadcast_in_dim3A, %iota3A], %gather3A_85 : memref<32x32xf32, #tpu.memory_space<vmem>>[vector<16xi32>, vector<16xi32>], vector<16xf32>,
      %add3A_86 = arith.constant 16 : i32
      %add3A_87 = vector.broadcast %add3A_86 : i32 to vector<16xi32>
      %add3A_88 = arith.addi %iota3A, %add3A_87 : vector<16xi32>
      %min3A_89 = arith.constant 19 : i32
      %min3A_90 = vector.broadcast %min3A_89 : i32 to vector<16xi32>
      %min3A_91 = arith.minsi %add3A_88, %min3A_90 : vector<16xi32>
      %gather3A_92 = tpu.vector_load_idx %arg11[%broadcast_in_dim3A, %min3A_91] : memref<32x20xi32, #tpu.memory_space<vmem>>[vector<16xi32>, vector<16xi32>], vector<16xi32>,
      %add3A_93 = arith.constant 16 : i32
      %add3A_94 = vector.broadcast %add3A_93 : i32 to vector<16xi32>
      %add3A_95 = arith.addi %iota3A, %add3A_94 : vector<16xi32>
      %gather3A_96 = tpu.vector_load_idx %arg9[%broadcast_in_dim3A, %gather3A_92] : memref<32x1024xf32, #tpu.memory_space<vmem>>[vector<16xi32>, vector<16xi32>], vector<16xf32>,
      tpu.vector_store_idx %arg13[%broadcast_in_dim3A, %add3A_95], %gather3A_96 : memref<32x32xf32, #tpu.memory_space<vmem>>[vector<16xi32>, vector<16xi32>], vector<16xf32>,
    }
    %scan3A_43 = arith.constant 16 : i32
    "tpu.region"() ({
      %run_scoped3A = tpu.sem_alloc : memref<!tpu.dma_semaphore, #tpu.memory_space<semaphore_mem>>
      %dma_start3A_44 = arith.constant 0 : i32
      %dma_start3A_45 = tpu.memref_slice %arg6[%mul3A_2, %dma_start3A_44] : memref<1024x16xf32, #tpu.memory_space<hbm>> -> memref<32x16xf32, #tpu.memory_space<hbm>>
      %dma_start3A_46 = arith.constant 0 : i32
      %dma_start3A_47 = tpu.memref_slice %arg6[%mul3A_2, %dma_start3A_46] : memref<1024x16xf32, #tpu.memory_space<hbm>> -> memref<32x16xf32, #tpu.memory_space<hbm>>
      tpu.enqueue_dma source(%arg12 : memref<32x16xf32, #tpu.memory_space<vmem>>) target(%dma_start3A_47 : memref<32x16xf32, #tpu.memory_space<hbm>>) target_semaphore(%run_scoped3A : memref<!tpu.dma_semaphore, #tpu.memory_space<semaphore_mem>>)
      %dma_wait3A_48 = arith.constant 0 : i32
      %dma_wait3A_49 = tpu.memref_slice %arg6[%mul3A_2, %dma_wait3A_48] : memref<1024x16xf32, #tpu.memory_space<hbm>> -> memref<32x16xf32, #tpu.memory_space<hbm>>
      %dma_wait3A_50 = arith.constant 0 : i32
      %dma_wait3A_51 = tpu.memref_slice %arg6[%mul3A_2, %dma_wait3A_50] : memref<1024x16xf32, #tpu.memory_space<hbm>> -> memref<32x16xf32, #tpu.memory_space<hbm>>
      tpu.wait_dma2 semaphore(%run_scoped3A : memref<!tpu.dma_semaphore, #tpu.memory_space<semaphore_mem>>) src(%arg12 : memref<32x16xf32, #tpu.memory_space<vmem>>) dst(%dma_wait3A_51 : memref<32x16xf32, #tpu.memory_space<hbm>>)
      tpu.yield
    }) : () -> ()
    "tpu.region"() ({
      %run_scoped3A = tpu.sem_alloc : memref<!tpu.dma_semaphore, #tpu.memory_space<semaphore_mem>>
      %dma_start3A_44 = arith.constant 0 : i32
      %dma_start3A_45 = tpu.memref_slice %arg7[%mul3A_2, %dma_start3A_44] : memref<1024x32xf32, #tpu.memory_space<hbm>> -> memref<32x32xf32, #tpu.memory_space<hbm>>
      %dma_start3A_46 = arith.constant 0 : i32
      %dma_start3A_47 = tpu.memref_slice %arg7[%mul3A_2, %dma_start3A_46] : memref<1024x32xf32, #tpu.memory_space<hbm>> -> memref<32x32xf32, #tpu.memory_space<hbm>>
      tpu.enqueue_dma source(%arg13 : memref<32x32xf32, #tpu.memory_space<vmem>>) target(%dma_start3A_47 : memref<32x32xf32, #tpu.memory_space<hbm>>) target_semaphore(%run_scoped3A : memref<!tpu.dma_semaphore, #tpu.memory_space<semaphore_mem>>)
      %dma_wait3A_48 = arith.constant 0 : i32
      %dma_wait3A_49 = tpu.memref_slice %arg7[%mul3A_2, %dma_wait3A_48] : memref<1024x32xf32, #tpu.memory_space<hbm>> -> memref<32x32xf32, #tpu.memory_space<hbm>>
      %dma_wait3A_50 = arith.constant 0 : i32
      %dma_wait3A_51 = tpu.memref_slice %arg7[%mul3A_2, %dma_wait3A_50] : memref<1024x32xf32, #tpu.memory_space<hbm>> -> memref<32x32xf32, #tpu.memory_space<hbm>>
      tpu.wait_dma2 semaphore(%run_scoped3A : memref<!tpu.dma_semaphore, #tpu.memory_space<semaphore_mem>>) src(%arg13 : memref<32x32xf32, #tpu.memory_space<vmem>>) dst(%dma_wait3A_51 : memref<32x32xf32, #tpu.memory_space<hbm>>)
      tpu.yield
    }) : () -> ()
    return
  }
}

module attributes {stable_mosaic.version = 14 : i64} {
  func.func @_scores_kernel(%arg0: memref<1000x64xf32, #tpu.memory_space<vmem>>, %arg1: memref<1024x64xf32, #tpu.memory_space<vmem>>, %arg2: memref<1000x1024xf32, #tpu.memory_space<vmem>>) attributes {dimension_semantics = [], scalar_prefetch = 0 : i64, scratch_operands = 0 : i64, tpu.core_type = #tpu.core_type<tc>} {
    %get3A = arith.constant 0 : index
    %get3A_0 = arith.constant 0 : index
    %get3A_1 = vector.load %arg0[%get3A, %get3A_0] : memref<1000x64xf32, #tpu.memory_space<vmem>>, vector<1000x64xf32>
    %get3A_2 = arith.constant 0 : index
    %get3A_3 = arith.constant 0 : index
    %get3A_4 = vector.load %arg1[%get3A_2, %get3A_3] : memref<1024x64xf32, #tpu.memory_space<vmem>>, vector<1024x64xf32>
    %dot_general3A = arith.constant dense<0.000000e+00> : vector<1000x1024xf32>
    %dot_general3A_5 = tpu.matmul %get3A_1, %get3A_4, %dot_general3A {dimension_numbers = #tpu.dot_dimension_numbers<[1], [1], [0], [0], [0, 0, 1, 0], [], []>, transpose_lhs_hint = false} : vector<1000x64xf32>, vector<1024x64xf32>, vector<1000x1024xf32> -> vector<1000x1024xf32>
    %exp3A = math.exp %dot_general3A_5 : vector<1000x1024xf32>
    %swap3A = arith.constant 0 : index
    %swap3A_6 = arith.constant 0 : index
    %swap3A_7 = vector.load %arg2[%swap3A, %swap3A_6] : memref<1000x1024xf32, #tpu.memory_space<vmem>>, vector<1000x1024xf32>
    tpu.vector_store %arg2[%swap3A, %swap3A_6], %exp3A {strides = array<i32>} : memref<1000x1024xf32, #tpu.memory_space<vmem>>, vector<1000x1024xf32>,
    return
  }
}

module attributes {stable_mosaic.version = 14 : i64} {
  func.func @_loss_kernel(%arg0: memref<1024x16xf32, #tpu.memory_space<vmem>>, %arg1: memref<1024x32xf32, #tpu.memory_space<vmem>>, %arg2: memref<1x1xf32, #tpu.memory_space<vmem>>) attributes {dimension_semantics = [], scalar_prefetch = 0 : i64, scratch_operands = 0 : i64, tpu.core_type = #tpu.core_type<tc>} {
    %get3A = arith.constant 0 : index
    %get3A_0 = arith.constant 0 : index
    %get3A_1 = vector.load %arg0[%get3A, %get3A_0] : memref<1024x16xf32, #tpu.memory_space<vmem>>, vector<1024x16xf32>
    %reduce_sum3A = arith.constant dense<0.000000e+00> : vector<1024xf32>
    %reduce_sum3A_2 = vector.multi_reduction <add>, %get3A_1, %reduce_sum3A [1] : vector<1024x16xf32> to vector<1024xf32>
    %broadcast_in_dim3A = vector.shape_cast %reduce_sum3A_2 : vector<1024xf32> to vector<1024x1xf32>
    %log3A = math.log %broadcast_in_dim3A : vector<1024x1xf32>
    %reduce_sum3A_3 = vector.shape_cast %log3A : vector<1024x1xf32> to vector<1x1024x1xf32>
    %reduce_sum3A_4 = arith.constant dense<0.000000e+00> : vector<1xf32>
    %reduce_sum3A_5 = vector.multi_reduction <add>, %reduce_sum3A_3, %reduce_sum3A_4 [1, 2] : vector<1x1024x1xf32> to vector<1xf32>
    %reduce_sum3A_6 = vector.shape_cast %reduce_sum3A_5 : vector<1xf32> to vector<1x1x1xf32>
    %reduce_sum3A_7 = vector.extract %reduce_sum3A_6[0, 0, 0] : f32 from vector<1x1x1xf32>
    %iota3A = tpu.iota {dimensions = array<i32: 1>} : vector<1024x32xi32>
    %lt3A = arith.constant 20 : i32
    %lt3A_8 = vector.broadcast %lt3A : i32 to vector<1024x32xi32>
    %lt3A_9 = arith.cmpi slt, %iota3A, %lt3A_8 : vector<1024x32xi32>
    %get3A_10 = arith.constant 0 : index
    %get3A_11 = arith.constant 0 : index
    %get3A_12 = vector.load %arg1[%get3A_10, %get3A_11] : memref<1024x32xf32, #tpu.memory_space<vmem>>, vector<1024x32xf32>
    %jit3A = arith.constant 1.000000e+00 : f32
    %broadcast_in_dim3A_13 = vector.broadcast %jit3A : f32 to vector<1024x32xf32>
    %select_n3A = arith.select %lt3A_9, %get3A_12, %broadcast_in_dim3A_13 : vector<1024x32xi1>, vector<1024x32xf32>
    %log3A_14 = math.log %select_n3A : vector<1024x32xf32>
    %reduce_sum3A_15 = vector.shape_cast %log3A_14 : vector<1024x32xf32> to vector<1x1024x32xf32>
    %reduce_sum3A_16 = arith.constant dense<0.000000e+00> : vector<1xf32>
    %reduce_sum3A_17 = vector.multi_reduction <add>, %reduce_sum3A_15, %reduce_sum3A_16 [1, 2] : vector<1x1024x32xf32> to vector<1xf32>
    %reduce_sum3A_18 = vector.shape_cast %reduce_sum3A_17 : vector<1xf32> to vector<1x1x1xf32>
    %reduce_sum3A_19 = vector.extract %reduce_sum3A_18[0, 0, 0] : f32 from vector<1x1x1xf32>
    %div3A = arith.constant 1.024000e+03 : f32
    %div3A_20 = arith.divf %reduce_sum3A_7, %div3A : f32
    %div3A_21 = arith.constant 2.048000e+04 : f32
    %div3A_22 = arith.divf %reduce_sum3A_19, %div3A_21 : f32
    %sub3A = arith.subf %div3A_20, %div3A_22 : f32
    %reshape3A = vector.broadcast %sub3A : f32 to vector<1x1xf32>
    %swap3A = arith.constant 0 : index
    %swap3A_23 = arith.constant 0 : index
    %swap3A_24 = vector.load %arg2[%swap3A, %swap3A_23] : memref<1x1xf32, #tpu.memory_space<vmem>>, vector<1x1xf32>
    tpu.vector_store %arg2[%swap3A, %swap3A_23], %reshape3A {strides = array<i32>} : memref<1x1xf32, #tpu.memory_space<vmem>>, vector<1x1xf32>,
    return
  }
}

</mosaic_0001>

<sc_bundles>
// kernel: kernel.5.cloned.1.call-start
scs
__scs_entry_jumppad:
0x0: {  	(pc) =	sbr.rel $0x88, $3  }
0x1: {  	(tag) =	ssettag $0x0;
	lr =	simm.s32 $0x1  }
0x2: {  	[smem:$0x3F9C] =	sst lr;
	_ =	strace $0xD0000000  }
0x3: {  	_ = 	snop  }
0x4: {  	_ = 	snop  }
0x5: {  	_ = 	snop  }
0x6: {  	_ = 	snop  }
0x7: {  	_ = 	snop  }
__scs_overlays_trampoline_lowered:
0x8: {  	[smem:$0x3FAB] =	sst s0  }
0x9: {  	[smem:$0x3FAC] =	sst s1  }
0xa: {  	[smem:$0x3FAD] =	sst s2  }
0xb: {  	[smem:$0x3FAE] =	sst s3  }
0xc: {  	[smem:$0x3FAF] =	sst s4  }
0xd: {  	[smem:$0x3FB0] =	sst s5  }
0xe: {  	[smem:$0x3FB1] =	sst s6  }
0xf: {  	[smem:$0x3FB2] =	sst s7  }
0x10: {  	[smem:$0x3FB3] =	sst s8  }
0x11: {  	[smem:$0x3FB4] =	sst s9;
	s0 =	simm.s32 @!p0 $0x0  }
0x12: {  	s1 =	sld [smem:$0x3F9A];
	s0 =	simm.s32 @p0 $0x1  }
0x13: {  	[smem:$0x3FB5] =	sst s0;
	s0 =	simm.s32 @!p1 $0x0  }
0x14: {  	s2 =	sld [smem:$0x3F99];
	s0 =	simm.s32 @p1 $0x1  }
0x15: {  	[smem:$0x3FB6] =	sst s0;
	s0 =	simm.s32 @!p2 $0x0  }
0x16: {  	s3 =	sld [smem:$0x3FDB];
	s0 =	simm.s32 @p2 $0x1  }
0x17: {  	s4 =	simm.s32 $0x1BF5;
	[smem:$0x3FB8] =	sst s0  }
0x18: {  	s0 =	sld [smem:$0x3F9B];
	_ =	swait.ge [sflag:s4], $0x0  }
0x19: {  	s7 =	sld [smem:$0x3F9C]  }
0x1a: {  	s8 =	sadd.s32 $0xFFFFE003, lr  }
0x1b: {  	s9 =	sadd.s32 $0xFFFFFEF7, lr;
	s5 =	simm.s32 $0xFFFFFFFF;
	p2 =	slt.u32 s8, $0xFFFFF086  }
0x1c: {  	p1 =	slt.u32 s9, $0xF7A;
	s5 =	simm.s32 @!p2 $0x0  }
0x1d: {  	s5 =	simm.s32 @p1 $0x1;
	p0 =	seq.s32 s7, s2  }
0x1e: {  	s7 =	smul.u32 @!p0 $0xF7A, s2;
	p2 =	seq.s32 @!p0 s5, $0x0  }
0x1f: {  	s9 =	smul.u32 $0xF7A, s1;
	s8 =	simm.s32 @!p0 $0x1BF5;
	p2 =	por !p2, p0  }
0x20: {  	[sflag:s8] =	ssyncset.s32 @!p0 $0xFFFFF086;
	s6 =	sadd.s32 @!p0 s3, s7;
	s7 =	simm.s32 @!p0 $0x108  }
0x21: {  	s3 =	sadd.s32 s3, s9;
	s6 =	sadd.s32 @!p0 $0x88, s6;
	s7 =	simm.s32 @p2 $0x1082  }
0x22: {  	[simem:s7], [sflag:s8] =	dma.local @!p0 [hbm:s6], $0xF7A  }
0x23: {  	s9 =	sor.u32 $0xD0000000, s2;
	s6 =	simm.s32 $0x108;
	_ =	swait.ge @!p0 [sflag:s8], $0x0  }
0x24: {  	s3 =	sadd.s32 $0x88, s3;
	s6 =	simm.s32 @!p1 $0x1082;
	[sflag:s4] =	ssyncset.s32 $0xFFFFF086  }
0x25: {  	[simem:s6], [sflag:s4] =	dma.local [hbm:s3], $0xF7A  }
0x26: {  	[smem:$0x3F9C] =	sst s1;
	(tag) =	ssettag s2;
	_ =	strace s9  }
0x27: {  	s1 =	sld [smem:$0x3FAC]  }
0x28: {  	s2 =	sld [smem:$0x3FAD]  }
0x29: {  	s4 =	sld [smem:$0x3FAF]  }
0x2a: {  	p0 =	seq.s32 s5, $0x0;
	s5 =	sld [smem:$0x3FB0]  }
0x2b: {  	s6 =	sld [smem:$0x3FB1]  }
0x2c: {  	s7 =	sld [smem:$0x3FB2]  }
0x2d: {  	s3 =	simm.s32 $0x108;
	s8 =	sld [smem:$0x3FB3]  }
0x2e: {  	s3 =	simm.s32 @!p0 $0x1082;
	s9 =	sld [smem:$0x3FB4]  }
0x2f: {  	lr =	sadd.s32 s0, s3;
	s0 =	sld [smem:$0x3FAB]  }
0x30: {  	s3 =	sld [smem:$0x3FAE]  }
0x31: {  	[smem:$0x3FB7] =	sst s10  }
0x32: {  	s10 =	sld [smem:$0x3FB5];
	_ =	sdelay $0x3  }
0x33: {  	p0 =	seq.s32 s10, $0x1;
	s10 =	sld [smem:$0x3FB7];
	_ =	sdelay $0x3  }
0x34: {  	[smem:$0x3FB7] =	sst s10  }
0x35: {  	s10 =	sld [smem:$0x3FB6];
	_ =	sdelay $0x3  }
0x36: {  	p1 =	seq.s32 s10, $0x1;
	s10 =	sld [smem:$0x3FB7];
	_ =	sdelay $0x3  }
0x37: {  	[smem:$0x3FB7] =	sst s10  }
0x38: {  	s10 =	sld [smem:$0x3FB8]  }
0x39: {  	_ = 	snop;
	(pc) =	sbr.ind lr, $3  }
0x3a: {  	_ = 	snop  }
0x3b: {  	_ = 	snop  }
0x3c: {  	p2 =	seq.s32 s10, $0x1;
	s10 =	sld [smem:$0x3FB7]  }
0x3d: {  	_ =	shalt  }
0x3e: {  	_ =	shalt  }
0x3f: {  	_ =	shalt  }
0x40: {  	_ =	shalt  }
0x41: {  	_ =	shalt  }
0x42: {  	_ =	shalt  }
0x43: {  	_ =	shalt  }
0x44: {  	_ =	shalt  }
0x45: {  	_ =	shalt  }
0x46: {  	_ =	shalt  }
0x47: {  	_ =	shalt  }
0x48: {  	_ =	shalt  }
0x49: {  	_ =	shalt  }
0x4a: {  	_ =	shalt  }
0x4b: {  	_ =	shalt  }
0x4c: {  	_ =	shalt  }
0x4d: {  	_ =	shalt  }
0x4e: {  	_ =	shalt  }
0x4f: {  	_ =	shalt  }
0x50: {  	_ =	shalt  }
0x51: {  	_ =	shalt  }
0x52: {  	_ =	shalt  }
0x53: {  	_ =	shalt  }
0x54: {  	_ =	shalt  }
0x55: {  	_ =	shalt  }
0x56: {  	_ =	shalt  }
0x57: {  	_ =	shalt  }
0x58: {  	_ =	shalt  }
0x59: {  	_ =	shalt  }
0x5a: {  	_ =	shalt  }
0x5b: {  	_ =	shalt  }
0x5c: {  	_ =	shalt  }
0x5d: {  	_ =	shalt  }
0x5e: {  	_ =	shalt  }
0x5f: {  	_ =	shalt  }
0x60: {  	_ =	shalt  }
0x61: {  	_ =	shalt  }
0x62: {  	_ =	shalt  }
0x63: {  	_ =	shalt  }
0x64: {  	_ =	shalt  }
0x65: {  	_ =	shalt  }
0x66: {  	_ =	shalt  }
0x67: {  	_ =	shalt  }
0x68: {  	_ =	shalt  }
0x69: {  	_ =	shalt  }
0x6a: {  	_ =	shalt  }
0x6b: {  	_ =	shalt  }
0x6c: {  	_ =	shalt  }
0x6d: {  	_ =	shalt  }
0x6e: {  	_ =	shalt  }
0x6f: {  	_ =	shalt  }
0x70: {  	_ =	shalt  }
0x71: {  	_ =	shalt  }
0x72: {  	_ =	shalt  }
0x73: {  	_ =	shalt  }
0x74: {  	_ =	shalt  }
0x75: {  	_ =	shalt  }
0x76: {  	_ =	shalt  }
0x77: {  	_ =	shalt  }
0x78: {  	_ =	shalt  }
0x79: {  	_ =	shalt  }
0x7a: {  	_ =	shalt  }
0x7b: {  	_ =	shalt  }
0x7c: {  	_ =	shalt  }
0x7d: {  	_ =	shalt  }
0x7e: {  	_ =	shalt  }
0x7f: {  	_ =	shalt  }
0x80: {  	_ =	shalt  }
0x81: {  	_ =	shalt  }
0x82: {  	_ =	shalt  }
0x83: {  	_ =	shalt  }
0x84: {  	_ =	shalt  }
0x85: {  	_ =	shalt  }
0x86: {  	_ =	shalt  }
0x87: {  	_ =	shalt  }
.Lfunc_end0:
.L_simem_size_0:
called_computation_lowered:
.L_overlay_start_0:
0x88: {  	s2 =	sld [smem:$0x3FD9]  }
0x89: {  	s3 =	sld [smem:$0x3FFE];
	_ =	sdelay $0x1  }
0x8a: {  	s1 =	srdreg.scid  }
0x8b: {  	s0 =	sand.u32 $0x1, s1  }
0x8c: {  	s17 =	sshll.u32 s0, $0xA;
	s2 =	sadd.s32 s3, s2  }
0x8d: {  	s2 =	sadd.s32 s2, s17  }
0x8e: {  	[smem:$0x3FC3] =	sst s2  }
0x8f: {  	_ = 	snop  }
0x90: {  	s2 =	sld [smem:$0x3FC9];
	(tm) =	ssettm $0x1  }
0x91: {  	s18 =	sld [smem:$0x3FFB];
	_ =	sdelay $0x3  }
0x92: {  	_ =	strace s18  }
0x93: {  	s3 =	sld [smem:$0x3FFC];
	_ =	sdelay $0x3  }
0x94: {  	_ =	strace s3  }
0x95: {  	s3 =	sld [smem:$0x3FFD];
	_ =	sdelay $0x3  }
0x96: {  	_ =	strace s3  }
0x97: {  	_ =	strace $0x8FFFFFFF  }
0x98: {  	s19 =	sld [smem:$0x3FDB];
	_ =	sdelay $0x1  }
0x99: {  	s4 =	simm.s32 $_scs_section_size  }
0x9a: {  	s5 =	simm.s32 $_size__tile_overlayer_lowered;
	s6 =	simm.s32 $_tile_overlayer_lowered  }
0x9b: {  	s22 =	simm.s32 $0x1BFF;
	s21 =	sshll.u32 s6, $0x1;
	s3 =	sadd.s32 s4, s19  }
0x9c: {  	s7 =	simm.s32 $0x0;
	s20 =	sshll.u32 s5, $0x1;
	s5 =	sadd.s32 s21, s3  }
0x9d: {  	[timem:s7], [sflag:s22] =	dma.local [hbm:s5], s20  }
0x9e: {  	_ =	swait.ge [sflag:s22], s20  }
0x9f: {  	s4 =	ssub.s32 $0x0, s20;
	[sflag:s22] =	ssyncset.done $0x0  }
0xa0: {  	[sflag:s22] =	ssyncadd.s32 s4;
	_ =	sdelay $0x1  }
0xa1: {  	s23 =	simm.s32 $0x1B8B  }
0xa2: {  	_ =	swait.ge [sflag:s23], $0x1  }
0xa3: {  	[sflag:s23] =	ssyncset.done $0x0  }
0xa4: {  	s25 =	simm.s32 $0x1B8E;
	s24 =	sld [smem:$0x3FFE];
	[sflag:s23] =	ssyncadd.s32 $0xFFFFFFFF  }
0xa5: {  	s26 =	simm.s32 $execute0_lowered;
	[smem:$0x3FD2] =	sst s25  }
0xa6: {  	s5 =	sshll.u32 s26, $0x1;
	_ =	strace $0x80000046;
	[dreg:$0x1] =	wrdreg $0xFFFFFFFF  }
0xa7: {  	s28 =	simm.s32 $_size_execute0_lowered;
	s3 =	sadd.s32 s3, s5;
	[dreg:$0x0] =	wrdreg $0x0  }
0xa8: {  	s5 =	sshll.u32 s28, $0x1;
	[dreg:$0x2] =	wrdreg s3  }
0xa9: {  	[dreg:$0x3] =	wrdreg s5  }
0xaa: {  	[dreg:$0x4] =	wrdreg $0xC0  }
0xab: {  	_ =	task [dreg:s7], $0x5FFFF  }
0xac: {  	[dreg:$0x1] =	wrdreg $0xFFFFFFFF  }
0xad: {  	[dreg:$0x0] =	wrdreg $0x60  }
0xae: {  	[dreg:$0x2] =	wrdreg s2  }
0xaf: {  	[dreg:$0x3] =	wrdreg s24  }
0xb0: {  	[dreg:$0x4] =	wrdreg $0x9  }
0xb1: {  	_ =	task.clear_ibuf [dreg:s7], $0x5FFFF;
	_ =	strace $0x90000046  }
0xb2: {  	s29 =	simm.s32 $0x9;
	_ =	strace $0x80000048  }
0xb3: {  	_ =	swait.ge [sflag:s29], $0x1  }
0xb4: {  	[sflag:s29] =	ssyncadd.s32 $0xFFFFFFFF  }
0xb5: {  	_ =	strace $0x90000048  }
0xb6: {  	_ =	sfence  }
0xb7: {  	s30 =	sld [smem:$0x0];
	_ =	sdelay $0x2  }
0xb8: {  	s31 =	sshll.u32 s1, $0xD;
	s1 =	sshrl.u32 s1, $0x2  }
0xb9: {  	s3 =	sand.u32 $0x4000, s31;
	s1 =	sadd.s32 s1, s30  }
0xba: {  	s0 =	sor.u32 s3, s0;
	s1 =	sshll.u32 s1, $0x11  }
0xbb: {  	s0 =	sor.u32 s1, s0  }
0xbc: {  	s0 =	sadd.s32 $0x8F2B, s0  }
0xbd: {  	[sflag:s0] =	ssyncadd.remote.s32 $0x1  }
0xbe: {  	_ =	sfence.sel $0xFFFF  }
0xbf: {  	[dreg:$0x0] =	wrdreg $0xFFFFFFFF;
	(pc) =	sbr.abs _section_cstart, $3  }
0xc0: {  	[dreg:$0x1] =	wrdreg $0xFFFFFFFF  }
0xc1: {  	_ =	task.clear_ibuf [dreg:s7], $0x2FFFF;
	_ =	strace $0x9FFFFFFF  }
0xc2: {  	(tm) =	ssettm $0x7FFFFFFF  }
0xc3: {  	_ =	shalt  }
tec
execute0_lowered:
.L_overlay_start_1:
0x0: {  	(tag) =	ssettag $0x1  }
0x1: {  	s0 =	rddreg [dreg:$0x0]  }
0x2: {  	s1 =	rddreg [dreg:$0x1]  }
0x3: {  	s3 =	srdreg.scid;
	s2 =	simm.s32 $0x0;
	s5 =	stileid.u32  }
0x4: {  	s13 =	simm.s32 $0x3;
	s14 =	simm.s32 $0x80;
	s28 =	simm.s32 $0x6880  }
0x5: {  	s29 =	simm.s32 $0x7080;
	s30 =	simm.s32 $0x7880;
	s31 =	simm.s32 $0x8080  }
0x6: {  	s15 =	simm.s32 $0x11080;
	s16 =	simm.s32 $0x12080;
	s17 =	simm.s32 $0x2  }
0x7: {  	s18 =	simm.s32 $0x0;
	s4 =	sand.u32 $0x1, s3;
	[smem:$0x7FF] =	sst s2  }
0x8: {  	s23 =	sshll.u32 s5, $0x6;
	s3 =	sadd.s32 $0x24E00, s1;
	s24 =	sshll.u32 s4, $0x5  }
0x9: {  	_ =	strace $0x80000047;
	s4 =	ssub.s32 $0x2, s4;
	s5 =	sor.u32 s24, s23  }
0xa: {  	v0 =	vlaneseq.u32;
	vm0 =	vmmov $0xffff;
	v4 =	vimm.s32 $0x63626160;
	s7 =	sshrl.u32 s4, $0x1;
	s24 =	simm.s32 $0x5080;
	s6 =	sshll.u32 s5, $0x7  }
0xb: {  	v5 =	vimm.s32 $0x67666564;
	vm2 =	vcmask $0xF00;
	v6 =	vimm.s32 $0x13121110;
	s25 =	sshll.u32 s5, $0x4;
	s12 =	ssub.s32 s4, s7;
	s26 =	sshrl.u32 s5, $0x3  }
0xc: {  	vm1 =	vcmask $0x1F10;
	v1 =	vand.u32 $0x7, v0;
	v4 =	vunpack.c.0.s8.s32 v4;
	s5 =	sadd.s32 $0x24F00, s1;
	s7 =	sadd.s32 $0x25100, s1;
	s8 =	sadd.s32 s6, s1  }
0xd: {  	v2 =	vshrl.u32 v0, $0x3;
	v3 =	vor.u32 $0x8, v0;
	v5 =	vunpack.c.0.s8.s32 v5;
	s11 =	sadd.s32 s25, s1;
	s4 =	sadd.s32 s0, s26;
	s6 =	sadd.s32 $0x25000, s1  }
0xe: {  	v8 =	vunpack.c.0.s8.s32 v6;
	v6 =	vor.u32 $0x50, v0;
	v7 =	vnsel vm2, $0x67, v4;
	s12 =	smax.u32 s12, $0x1;
	s25 =	simm.s32 $0x5880;
	s26 =	simm.s32 $0x6080  }
0xf: {  	v2 =	vmul.u32 $0x8, v2;
	v4 =	vor.u32 $0x40, v0;
	v5 =	vsel vm1, v5, v7;
	s0 =	simm.s32 $0x10080;
	s1 =	simm.s32 $0x1;
	s8 =	sadd.s32 $0x4E00, s8  }
0x10: {  	vm1 =	vmmov $0xff;
	v7 =	vnsel vm2, $0x13, v8;
	v8 =	vor.u32 $0x10, v0;
	s9 =	sadd.s32 $0xE00, s11;
	s10 =	sadd.s32 $0x44200, s11;
	s11 =	sadd.s32 $0x48200, s11  }
.LBB2_1:
0x11: {  	[tilespmem:s2], [sflag:$0x3] =	stream.linear.gather [hbm4b:s4+s2], $0x20, $0x38;
	[tilespmem:$0x13080] =	vst v63  }
0x12: {  	_ =	swait.ge [sflag:s13], $0x20  }
0x13: {  	[sflag:s13] =	ssyncset.done $0x0  }
0x14: {  	[sflag:s13] =	ssyncadd.s32 $0xFFFFFFE0  }
0x15: {  	v9 =	vld [tilespmem:$0x0];
	_ =	sdelay $0x4  }
0x16: {  	v10 =	vshll.u32 v9, $0x3  }
0x17: {  	v9 =	vand.u32 $0x7, v9;
	v10 =	vand.u32 $0xFFFFFFC0, v10  }
0x18: {  	v9 =	vor.u32 v9, v10  }
0x19: {  	v10 =	vperm.xlane v9, v1;
	_ =	sdelay $0x1  }
0x1a: {  	v10 =	vadd.s32 v2, v10;
	_ =	sdelay $0x4  }
0x1b: {  	[tilespmem:s14], [sflag:$0x1] =	stream.indirect_vreg.gather [hbm4b:s3+s2], $0x80, v10, vm0, $0xb8;
	[tilespmem:$0x13080] =	vst v63  }
0x1c: {  	s19 =	simm.s32 $0x880;
	v9 =	vperm.xlane v9, v3  }
0x1d: {  	[tilespmem:s19], [sflag:$0x1] =	stream.indirect_vreg.gather [hbm4b:s5+s2], $0x80, v10, vm0, $0xb8;
	[tilespmem:$0x13080] =	vst v63  }
0x1e: {  	s20 =	simm.s32 $0x1080;
	v9 =	vadd.s32 v2, v9  }
0x1f: {  	[tilespmem:s20], [sflag:$0x1] =	stream.indirect_vreg.gather [hbm4b:s6+s2], $0x80, v10, vm0, $0xb8;
	[tilespmem:$0x13080] =	vst v63  }
0x20: {  	s21 =	simm.s32 $0x1880  }
0x21: {  	[tilespmem:s21], [sflag:$0x1] =	stream.indirect_vreg.gather [hbm4b:s7+s2], $0x80, v10, vm0, $0xb8;
	[tilespmem:$0x13080] =	vst v63  }
0x22: {  	s22 =	simm.s32 $0x2080  }
0x23: {  	[tilespmem:s22], [sflag:$0x1] =	stream.indirect_vreg.gather [hbm4b:s3+s2], $0x80, v9, vm0, $0xb8;
	[tilespmem:$0x13080] =	vst v63  }
0x24: {  	s23 =	simm.s32 $0x2880  }
0x25: {  	[tilespmem:s23], [sflag:$0x1] =	stream.indirect_vreg.gather [hbm4b:s5+s2], $0x80, v9, vm0, $0xb8;
	[tilespmem:$0x13080] =	vst v63  }
0x26: {  	s20 =	simm.s32 $0x3080  }
0x27: {  	[tilespmem:s20], [sflag:$0x1] =	stream.indirect_vreg.gather [hbm4b:s6+s2], $0x80, v9, vm0, $0xb8;
	[tilespmem:$0x13080] =	vst v63  }
0x28: {  	s21 =	simm.s32 $0x3880  }
0x29: {  	[tilespmem:s21], [sflag:$0x1] =	stream.indirect_vreg.gather [hbm4b:s7+s2], $0x80, v9, vm0, $0xb8;
	[tilespmem:$0x13080] =	vst v63  }
0x2a: {  	v9 =	vld [tilespmem:$0x10];
	_ =	sdelay $0x4  }
0x2b: {  	v10 =	vshll.u32 v9, $0x3  }
0x2c: {  	v9 =	vand.u32 $0x7, v9;
	v10 =	vand.u32 $0xFFFFFFC0, v10  }
0x2d: {  	v9 =	vor.u32 v9, v10  }
0x2e: {  	v10 =	vperm.xlane v9, v1;
	_ =	sdelay $0x1  }
0x2f: {  	v10 =	vadd.s32 v2, v10;
	_ =	sdelay $0x3  }
0x30: {  	s22 =	simm.s32 $0x4080  }
0x31: {  	[tilespmem:s22], [sflag:$0x2] =	stream.indirect_vreg.gather [hbm4b:s3+s2], $0x80, v10, vm0, $0xb8;
	[tilespmem:$0x13080] =	vst v63  }
0x32: {  	s23 =	simm.s32 $0x4880;
	v9 =	vperm.xlane v9, v3  }
0x33: {  	[tilespmem:s23], [sflag:$0x2] =	stream.indirect_vreg.gather [hbm4b:s5+s2], $0x80, v10, vm0, $0xb8;
	[tilespmem:$0x13080] =	vst v63  }
0x34: {  	v9 =	vadd.s32 v2, v9  }
0x35: {  	[tilespmem:s24], [sflag:$0x2] =	stream.indirect_vreg.gather [hbm4b:s6+s2], $0x80, v10, vm0, $0xb8;
	[tilespmem:$0x13080] =	vst v63  }
0x36: {  	_ = 	snop  }
0x37: {  	[tilespmem:s25], [sflag:$0x2] =	stream.indirect_vreg.gather [hbm4b:s7+s2], $0x80, v10, vm0, $0xb8;
	[tilespmem:$0x13080] =	vst v63  }
0x38: {  	_ = 	snop  }
0x39: {  	[tilespmem:s26], [sflag:$0x2] =	stream.indirect_vreg.gather [hbm4b:s3+s2], $0x80, v9, vm0, $0xb8;
	[tilespmem:$0x13080] =	vst v63  }
0x3a: {  	_ = 	snop  }
0x3b: {  	[tilespmem:s28], [sflag:$0x2] =	stream.indirect_vreg.gather [hbm4b:s5+s2], $0x80, v9, vm0, $0xb8;
	[tilespmem:$0x13080] =	vst v63  }
0x3c: {  	_ = 	snop  }
0x3d: {  	[tilespmem:s29], [sflag:$0x2] =	stream.indirect_vreg.gather [hbm4b:s6+s2], $0x80, v9, vm0, $0xb8;
	[tilespmem:$0x13080] =	vst v63  }
0x3e: {  	_ = 	snop  }
0x3f: {  	[tilespmem:s30], [sflag:$0x2] =	stream.indirect_vreg.gather [hbm4b:s7+s2], $0x80, v9, vm0, $0xb8;
	[tilespmem:$0x13080] =	vst v63  }
0x40: {  	_ = 	snop  }
0x41: {  	[tilespmem:s31], [sflag:$0x3] =	stream.linear.gather [hbm4b:s8+s2], $0x8000, $0x38;
	[tilespmem:$0x13080] =	vst v63  }
0x42: {  	_ =	swait.ge [sflag:s13], $0x8000  }
0x43: {  	[sflag:s13] =	ssyncset.done $0x0  }
0x44: {  	[sflag:s13] =	ssyncadd.s32 $0xFFFF8000  }
0x45: {  	[tilespmem:s0], [sflag:$0x3] =	stream.linear.gather [hbm4b:s9+s2], $0x1000, $0x38;
	[tilespmem:$0x13080] =	vst v63  }
0x46: {  	_ =	swait.ge [sflag:s13], $0x1000  }
0x47: {  	[sflag:s13] =	ssyncset.done $0x0  }
0x48: {  	[sflag:s13] =	ssyncadd.s32 $0xFFFFF000  }
0x49: {  	_ =	swait.ge [sflag:s1], $0x4000  }
0x4a: {  	[sflag:s1] =	ssyncset.done $0x0  }
0x4b: {  	s19 =	simm.s32 $0x0;
	[sflag:s1] =	ssyncadd.s32 $0xFFFFC000  }
.LBB2_2:
0x4c: {  	v9 =	vmov s19  }
0x4d: {  	s20 =	simm.s32 $0x10;
	s21 =	simm.s32 $0x0;
	v12 =	vshll.u32 v9, $0xA;
	v9 =	vshll.u32 v9, $0x7  }
0x4e: {  	s22 =	simm.s32 $0x30;
	v14 =	vmov s20;
	v15 =	vmov s21;
	v16 =	vor.u32 s20, v0  }
0x4f: {  	v17 =	vor.u32 s21, v0;
	v18 =	vmov s22;
	v11 =	vand.u32 $0x2000, v12  }
0x50: {  	v10 =	vand.u32 $0x380, v9;
	v15 =	vshll.u32 v15, $0x3;
	v17 =	vand.u32 $0x4F, v17  }
0x51: {  	v14 =	vshll.u32 v14, $0x3;
	v16 =	vand.u32 $0x5F, v16;
	v15 =	vand.u32 $0x1C00, v15  }
0x52: {  	s23 =	simm.s32 $0x20;
	v13 =	vor.u32 v10, v11;
	v14 =	vand.u32 $0x1C00, v14;
	v15 =	vor.u32 v15, v17  }
0x53: {  	v19 =	vmov s23;
	v14 =	vor.u32 v14, v16;
	v15 =	vor.u32 v13, v15  }
0x54: {  	v17 =	vor.u32 s23, v0;
	v16 =	vshll.u32 v19, $0x3;
	v19 =	vor.u32 v13, v14  }
0x55: {  	v18 =	vshll.u32 v18, $0x3;
	s23 =	simm.s32 $0x50;
	v14 =	vand.u32 $0x6F, v17;
	v16 =	vand.u32 $0x1C00, v16  }
0x56: {  	v17 =	vor.u32 s22, v0;
	v21 =	vmov s23;
	v14 =	vor.u32 v16, v14  }
0x57: {  	s22 =	simm.s32 $0x70;
	v16 =	vand.u32 $0x7F, v17;
	v17 =	vand.u32 $0x1C00, v18;
	v18 =	vor.u32 v13, v14  }
0x58: {  	v22 =	vor.u32 s23, v0;
	s23 =	simm.s32 $0x40;
	v20 =	vor.u32 s22, v0;
	v16 =	vor.u32 v17, v16;
	v15 =	vld.idx.msk [tilespmem:v15+s31+$0x0], $0xffff  }
0x59: {  	v24 =	vmov s23;
	v25 =	vor.u32 s23, v0;
	v16 =	vor.u32 v13, v16;
	v19 =	vld.idx.msk [tilespmem:v19+s31+$0x0], $0xffff  }
0x5a: {  	v22 =	vand.u32 $0x5F, v22;
	v21 =	vshll.u32 v21, $0x3;
	v17 =	vmov s22  }
0x5b: {  	s22 =	simm.s32 $0x60;
	v24 =	vshll.u32 v24, $0x3;
	v25 =	vand.u32 $0x4F, v25;
	v21 =	vand.u32 $0x1C00, v21  }
0x5c: {  	v23 =	vmov s22;
	v24 =	vand.u32 $0x1C00, v24;
	v21 =	vor.u32 v21, v22;
	v18 =	vld.idx.msk [tilespmem:v18+s31+$0x0], $0xffff  }
0x5d: {  	v26 =	vor.u32 s22, v0;
	v27 =	vshll.u32 v17, $0x3;
	v22 =	vshll.u32 v15, $0x3  }
0x5e: {  	v24 =	vor.u32 v24, v25;
	v16 =	vld.idx.msk [tilespmem:v16+s31+$0x0], $0xffff;
	v61 =	vshll.u32 v19, $0x3;
	v22 =	vand.u32 $0xFFFFFC00, v22  }
0x5f: {  	v15 =	vand.u32 $0x7F, v15;
	v17 =	vand.u32 $0xFFFFFC00, v61;
	v22 =	vadd.s32 v11, v22  }
0x60: {  	v19 =	vand.u32 $0x7F, v19;
	v17 =	vadd.s32 v11, v17;
	v15 =	vor.u32 v15, v22  }
0x61: {  	v22 =	vshll.u32 v18, $0x3;
	v17 =	vor.u32 v19, v17;
	v15 =	vor.u32 v10, v15  }
0x62: {  	v24 =	vor.u32 v13, v24;
	v19 =	vand.u32 $0xFFFFFC00, v22;
	v22 =	vor.u32 v10, v17  }
0x63: {  	v17 =	vand.u32 $0x7F, v18;
	v18 =	vadd.s32 v11, v19;
	v19 =	vshll.u32 v16, $0x3  }
0x64: {  	v62 =	vand.u32 $0x7F, v16;
	v17 =	vor.u32 v17, v18;
	v18 =	vand.u32 $0xFFFFFC00, v19  }
0x65: {  	v19 =	vor.u32 v10, v17;
	v18 =	vadd.s32 v11, v18;
	v17 =	vor.u32 v13, v21  }
0x66: {  	v21 =	vshll.u32 v23, $0x3;
	v23 =	vand.u32 $0x7F, v20;
	v16 =	vld.idx.msk [tilespmem:v15+s14+$0x0], $0xffff;
	v15 =	vor.u32 v62, v18  }
0x67: {  	v21 =	vand.u32 $0x1C00, v21;
	v18 =	vand.u32 $0x6F, v26;
	v20 =	vor.u32 v10, v15  }
0x68: {  	v63 =	vand.u32 $0x1C00, v27;
	v21 =	vor.u32 v21, v18;
	v18 =	vld.idx.msk [tilespmem:v22+s14+$0x0], $0xffff  }
0x69: {  	s20 =	simm.s32 $0x4;
	s21 =	simm.s32 $0xB0;
	v14 =	vimm.f32 $0.0e+00;
	v15 =	vld.idx.msk [tilespmem:v24+s31+$0x0], $0xffff;
	v22 =	vor.u32 v63, v23;
	v21 =	vor.u32 v13, v21  }
.LBB2_3:
0x6a: {  	s22 =	sadd.s32 $0xFFFFFFF0, s21;
	v23 =	vmov s21;
	v24 =	vor.u32 s21, v0;
	v22 =	vor.u32 v13, v22;
	v19 =	vld.idx.msk [tilespmem:v19+s14+$0x0], $0xffff  }
0x6b: {  	s23 =	sadd.s32 $0xFFFFFFE0, s21;
	v25 =	vmov s22;
	v26 =	vor.u32 s22, v0;
	v23 =	vshll.u32 v23, $0x3;
	v17 =	vld.idx.msk [tilespmem:v17+s31+$0x0], $0xffff  }
0x6c: {  	s22 =	sadd.s32 $0xFFFFFFD0, s21;
	v27 =	vmov s23;
	v28 =	vor.u32 s23, v0;
	v14 =	vadd.f32 v16, v14;
	v16 =	vld.idx.msk [tilespmem:v20+s14+$0x0], $0xffff  }
0x6d: {  	v20 =	vmov s22;
	v29 =	vor.u32 s22, v0;
	v28 =	vand.u32 $0x5F, v28  }
0x6e: {  	v27 =	vshll.u32 v27, $0x3;
	v20 =	vshll.u32 v20, $0x3;
	v14 =	vadd.f32 v18, v14;
	v21 =	vld.idx.msk [tilespmem:v21+s31+$0x0], $0xffff  }
0x6f: {  	v18 =	vand.u32 $0x4F, v29;
	v27 =	vand.u32 $0x1C00, v27;
	v20 =	vand.u32 $0x1C00, v20;
	v22 =	vld.idx.msk [tilespmem:v22+s31+$0x0], $0xffff  }
0x70: {  	v27 =	vor.u32 v27, v28;
	v28 =	vshll.u32 v15, $0x3;
	v14 =	vadd.f32 v19, v14  }
0x71: {  	v15 =	vand.u32 $0x7F, v15;
	v18 =	vor.u32 v20, v18;
	v19 =	vand.u32 $0xFFFFFC00, v28  }
0x72: {  	v19 =	vadd.s32 v11, v19;
	v20 =	vshll.u32 v17, $0x3;
	v14 =	vadd.f32 v16, v14  }
0x73: {  	s20 =	sadd.s32 $0x4, s20;
	v15 =	vor.u32 v15, v19;
	v16 =	vand.u32 $0x7F, v17;
	v17 =	vand.u32 $0xFFFFFC00, v20  }
0x74: {  	p0 =	slt.u32 s20, $0x38;
	v15 =	vor.u32 v10, v15;
	v17 =	vadd.s32 v11, v17;
	v19 =	vshll.u32 v21, $0x3  }
0x75: {  	v16 =	vor.u32 v16, v17;
	v17 =	vand.u32 $0xFFFFFC00, v19;
	v19 =	vshll.u32 v22, $0x3  }
0x76: {  	v28 =	vor.u32 v10, v16;
	v16 =	vand.u32 $0x7F, v21;
	v17 =	vadd.s32 v11, v17  }
0x77: {  	v21 =	vor.u32 v13, v18;
	v16 =	vor.u32 v16, v17;
	v17 =	vand.u32 $0xFFFFFC00, v19  }
.Ltmp0:
0x78: {  	v18 =	vand.u32 $0x7F, v22;
	v19 =	vor.u32 v10, v16;
	v20 =	vadd.s32 v11, v17;
	(pc) =	sbr.rel @p0 .LBB2_3-.Ltmp0, $4  }
0x79: {  	v22 =	vshll.u32 v25, $0x3;
	v17 =	vor.u32 v13, v27;
	v16 =	vld.idx.msk [tilespmem:v15+s14+$0x0], $0xffff;
	v15 =	vor.u32 v18, v20  }
0x7a: {  	v22 =	vand.u32 $0x1C00, v22;
	v18 =	vand.u32 $0x6F, v26;
	v20 =	vor.u32 v10, v15  }
0x7b: {  	v24 =	vand.u32 $0x7F, v24;
	v23 =	vand.u32 $0x1C00, v23;
	v22 =	vor.u32 v22, v18;
	v18 =	vld.idx.msk [tilespmem:v28+s14+$0x0], $0xffff  }
0x7c: {  	s21 =	sadd.s32 $0x40, s21;
	v15 =	vld.idx.msk [tilespmem:v21+s31+$0x0], $0xffff;
	v21 =	vor.u32 v13, v22;
	v22 =	vor.u32 v23, v24  }
0x7d: {  	_ =	sdelay $0x3  }
0x7e: {  	v19 =	vld.idx.msk [tilespmem:v19+s14+$0x0], $0xffff  }
0x7f: {  	v12 =	vor.u32 v10, v12;
	v13 =	vor.u32 v13, v22;
	v17 =	vld.idx.msk [tilespmem:v17+s31+$0x0], $0xffff  }
0x80: {  	v21 =	vld.idx.msk [tilespmem:v21+s31+$0x0], $0xffff;
	v14 =	vadd.f32 v16, v14;
	v12 =	vor.u32 $0x1C00, v12  }
0x81: {  	v44 =	vor.u32 v4, v12  }
0x82: {  	v46 =	vor.u32 v6, v12;
	v14 =	vadd.f32 v18, v14  }
0x83: {  	v43 =	vld.idx.msk [tilespmem:v20+s14+$0x0], $0xffff;
	v12 =	vor.u32 v5, v12;
	v45 =	vshll.u32 v15, $0x3;
	v47 =	vand.u32 $0x7F, v15  }
0x84: {  	v14 =	vadd.f32 v19, v14;
	v18 =	vand.u32 $0xFFFFFC00, v45;
	v13 =	vld.idx.msk [tilespmem:v13+s31+$0x0], $0xffff;
	v48 =	vshll.u32 v17, $0x3  }
0x85: {  	v17 =	vand.u32 $0x7F, v17;
	v51 =	vshll.u32 v21, $0x3;
	v18 =	vadd.s32 v11, v18  }
0x86: {  	v52 =	vand.u32 $0x7F, v21;
	v50 =	vand.u32 $0xFFFFFC00, v48;
	v15 =	vor.u32 v47, v18;
	v49 =	vld.idx.msk [tilespmem:v44+s31+$0x0], $0xffff  }
0x87: {  	v20 =	vand.u32 $0xFFFFFC00, v51;
	v18 =	vadd.s32 v11, v50;
	v19 =	vld.idx.msk [tilespmem:v46+s31+$0x0], $0xffff;
	v15 =	vor.u32 v10, v15  }
0x88: {  	v14 =	vadd.f32 v43, v14;
	v20 =	vadd.s32 v11, v20;
	v12 =	vld.idx.msk [tilespmem:v12+s31+$0x0], $0xffff;
	v17 =	vor.u32 v17, v18  }
0x89: {  	v18 =	vor.u32 v52, v20;
	v17 =	vor.u32 v10, v17;
	v53 =	vshll.u32 v13, $0x3  }
0x8a: {  	v18 =	vor.u32 v10, v18;
	v13 =	vand.u32 $0x7F, v13;
	v54 =	vand.u32 $0xFFFFFC00, v53  }
0x8b: {  	v55 =	vshll.u32 v49, $0x3;
	v20 =	vadd.s32 v11, v54;
	v16 =	vand.u32 $0x7F, v49  }
0x8c: {  	v57 =	vshll.u32 v19, $0x3;
	v21 =	vand.u32 $0xFFFFFC00, v55;
	v15 =	vld.idx.msk [tilespmem:v15+s14+$0x0], $0xffff;
	v13 =	vor.u32 v13, v20  }
0x8d: {  	v58 =	vshll.u32 v12, $0x3;
	v56 =	vadd.s32 v11, v21;
	v13 =	vor.u32 v10, v13  }
0x8e: {  	v19 =	vand.u32 $0x7F, v19;
	v20 =	vand.u32 $0xFFFFFC00, v57;
	v17 =	vld.idx.msk [tilespmem:v17+s14+$0x0], $0xffff;
	v16 =	vor.u32 v16, v56  }
0x8f: {  	v20 =	vadd.s32 v11, v20;
	v21 =	vand.u32 $0xFFFFFC00, v58;
	v16 =	vor.u32 v10, v16  }
0x90: {  	v12 =	vand.u32 $0x7F, v12;
	v18 =	vld.idx.msk [tilespmem:v18+s14+$0x0], $0xffff;
	v19 =	vor.u32 v19, v20;
	v59 =	vadd.s32 v11, v21  }
0x91: {  	v60 =	vor.u32 v10, v19;
	v12 =	vor.u32 v12, v59;
	v14 =	vadd.f32 v15, v14  }
0x92: {  	v12 =	vor.u32 v10, v12;
	v13 =	vld.idx.msk [tilespmem:v13+s14+$0x0], $0xffff  }
0x93: {  	v14 =	vadd.f32 v17, v14  }
0x94: {  	v16 =	vld.idx.msk [tilespmem:v16+s14+$0x0], $0xffff  }
0x95: {  	v14 =	vadd.f32 v18, v14  }
0x96: {  	v15 =	vld.idx.msk [tilespmem:v60+s14+$0x0], $0xffff  }
0x97: {  	v12 =	vld.idx.msk [tilespmem:v12+s14+$0x0], $0xffff;
	v13 =	vadd.f32 v13, v14;
	_ =	sdelay $0x1  }
0x98: {  	v13 =	vadd.f32 v16, v13  }
0x99: {  	v61 =	vor.u32 v0, v9  }
0x9a: {  	v13 =	vadd.f32 v15, v13  }
0x9b: {  	v12 =	vnsel vm1, $0x0, v12  }
0x9c: {  	v12 =	vadd.f32 v12, v13;
	_ =	sdelay $0x1  }
0x9d: {  	[tilespmem:v61+s15+$0x0] =	vst.idx.msk $0xffff, v12  }
0x9e: {  	v12 =	vld.idx.msk [tilespmem:v61+s0+$0x0], $0xffff;
	_ =	sdelay $0x4  }
0x9f: {  	v62 =	vshll.u32 v12, $0x3  }
0xa0: {  	v13 =	vand.u32 $0xFFFFFC00, v62  }
0xa1: {  	v12 =	vand.u32 $0x7F, v12;
	v13 =	vadd.s32 v11, v13  }
0xa2: {  	v12 =	vor.u32 v12, v13  }
0xa3: {  	v12 =	vor.u32 v10, v12;
	_ =	sdelay $0x4  }
0xa4: {  	v12 =	vld.idx.msk [tilespmem:v12+s14+$0x0], $0xffff  }
0xa5: {  	v63 =	vor.u32 v7, v9;
	_ =	sdelay $0x3  }
0xa6: {  	[tilespmem:v61+s16+$0x0] =	vst.idx.msk $0xffff, v12  }
0xa7: {  	v12 =	vld.idx.msk [tilespmem:v63+s0+$0x0], $0xffff;
	_ =	sdelay $0x4  }
0xa8: {  	v13 =	vshll.u32 v12, $0x3  }
0xa9: {  	v13 =	vand.u32 $0xFFFFFC00, v13  }
0xaa: {  	v12 =	vand.u32 $0x7F, v12;
	v11 =	vadd.s32 v11, v13  }
0xab: {  	v11 =	vor.u32 v12, v11  }
0xac: {  	v10 =	vor.u32 v10, v11;
	_ =	sdelay $0x3  }
0xad: {  	s19 =	sadd.s32 $0x1, s19  }
0xae: {  	v9 =	vor.u32 v8, v9;
	p0 =	sne.s32 s19, $0x10;
	v10 =	vld.idx.msk [tilespmem:v10+s14+$0x0], $0xffff  }
.Ltmp1:
0xaf: {  	_ = 	snop;
	(pc) =	sbr.rel @p0 .LBB2_2-.Ltmp1, $2  }
0xb0: {  	_ =	sdelay $0x2  }
0xb1: {  	[tilespmem:v9+s16+$0x0] =	vst.idx.msk $0xffff, v10  }
0xb2: {  	_ =	swait.ge [sflag:s17], $0x4000  }
0xb3: {  	[sflag:s17] =	ssyncset.done $0x0  }
0xb4: {  	s19 =	simm.s32 $0x10;
	[sflag:s17] =	ssyncadd.s32 $0xFFFFC000  }
.LBB2_6:
0xb5: {  	v9 =	vmov s19  }
0xb6: {  	s20 =	simm.s32 $0x10;
	s21 =	simm.s32 $0x0;
	v12 =	vshll.u32 v9, $0xA;
	v9 =	vshll.u32 v9, $0x7  }
0xb7: {  	s22 =	simm.s32 $0x30;
	v14 =	vmov s20;
	v15 =	vmov s21;
	v16 =	vor.u32 s20, v0  }
0xb8: {  	v17 =	vor.u32 s21, v0;
	v18 =	vmov s22;
	v11 =	vand.u32 $0x6000, v12  }
0xb9: {  	v10 =	vand.u32 $0x380, v9;
	v15 =	vshll.u32 v15, $0x3;
	v17 =	vand.u32 $0x4F, v17  }
0xba: {  	v14 =	vshll.u32 v14, $0x3;
	v16 =	vand.u32 $0x5F, v16;
	v15 =	vand.u32 $0x1C00, v15  }
0xbb: {  	s23 =	simm.s32 $0x20;
	v13 =	vor.u32 v10, v11;
	v14 =	vand.u32 $0x1C00, v14;
	v15 =	vor.u32 v15, v17  }
0xbc: {  	v19 =	vmov s23;
	v14 =	vor.u32 v14, v16;
	v15 =	vor.u32 v13, v15  }
0xbd: {  	v17 =	vor.u32 s23, v0;
	v16 =	vshll.u32 v19, $0x3;
	v19 =	vor.u32 v13, v14  }
0xbe: {  	v18 =	vshll.u32 v18, $0x3;
	s23 =	simm.s32 $0x50;
	v14 =	vand.u32 $0x6F, v17;
	v16 =	vand.u32 $0x1C00, v16  }
0xbf: {  	v17 =	vor.u32 s22, v0;
	v21 =	vmov s23;
	v14 =	vor.u32 v16, v14  }
0xc0: {  	s22 =	simm.s32 $0x70;
	v16 =	vand.u32 $0x7F, v17;
	v17 =	vand.u32 $0x1C00, v18;
	v18 =	vor.u32 v13, v14  }
0xc1: {  	v22 =	vor.u32 s23, v0;
	s23 =	simm.s32 $0x40;
	v20 =	vor.u32 s22, v0;
	v16 =	vor.u32 v17, v16;
	v15 =	vld.idx.msk [tilespmem:v15+s31+$0x0], $0xffff  }
0xc2: {  	v24 =	vmov s23;
	v25 =	vor.u32 s23, v0;
	v16 =	vor.u32 v13, v16;
	v19 =	vld.idx.msk [tilespmem:v19+s31+$0x0], $0xffff  }
0xc3: {  	v22 =	vand.u32 $0x5F, v22;
	v21 =	vshll.u32 v21, $0x3;
	v17 =	vmov s22  }
0xc4: {  	s22 =	simm.s32 $0x60;
	v24 =	vshll.u32 v24, $0x3;
	v25 =	vand.u32 $0x4F, v25;
	v21 =	vand.u32 $0x1C00, v21  }
0xc5: {  	v23 =	vmov s22;
	v24 =	vand.u32 $0x1C00, v24;
	v21 =	vor.u32 v21, v22;
	v18 =	vld.idx.msk [tilespmem:v18+s31+$0x0], $0xffff  }
0xc6: {  	v26 =	vor.u32 s22, v0;
	v27 =	vshll.u32 v17, $0x3;
	v22 =	vshll.u32 v15, $0x3  }
0xc7: {  	v24 =	vor.u32 v24, v25;
	v16 =	vld.idx.msk [tilespmem:v16+s31+$0x0], $0xffff;
	v61 =	vshll.u32 v19, $0x3;
	v22 =	vand.u32 $0xFFFFFC00, v22  }
0xc8: {  	v15 =	vand.u32 $0x7F, v15;
	v17 =	vand.u32 $0xFFFFFC00, v61;
	v22 =	vadd.s32 v11, v22  }
0xc9: {  	v19 =	vand.u32 $0x7F, v19;
	v17 =	vadd.s32 v11, v17;
	v15 =	vor.u32 v15, v22  }
0xca: {  	v22 =	vshll.u32 v18, $0x3;
	v17 =	vor.u32 v19, v17;
	v15 =	vor.u32 v10, v15  }
0xcb: {  	v24 =	vor.u32 v13, v24;
	v19 =	vand.u32 $0xFFFFFC00, v22;
	v22 =	vor.u32 v10, v17  }
0xcc: {  	v17 =	vand.u32 $0x7F, v18;
	v18 =	vadd.s32 v11, v19;
	v19 =	vshll.u32 v16, $0x3  }
0xcd: {  	v62 =	vand.u32 $0x7F, v16;
	v17 =	vor.u32 v17, v18;
	v18 =	vand.u32 $0xFFFFFC00, v19  }
0xce: {  	v19 =	vor.u32 v10, v17;
	v18 =	vadd.s32 v11, v18;
	v17 =	vor.u32 v13, v21  }
0xcf: {  	v21 =	vshll.u32 v23, $0x3;
	v23 =	vand.u32 $0x7F, v20;
	v16 =	vld.idx.msk [tilespmem:v15+s14+$0x0], $0xffff;
	v15 =	vor.u32 v62, v18  }
0xd0: {  	v21 =	vand.u32 $0x1C00, v21;
	v18 =	vand.u32 $0x6F, v26;
	v20 =	vor.u32 v10, v15  }
0xd1: {  	v63 =	vand.u32 $0x1C00, v27;
	v21 =	vor.u32 v21, v18;
	v18 =	vld.idx.msk [tilespmem:v22+s14+$0x0], $0xffff  }
0xd2: {  	s20 =	simm.s32 $0x4;
	s21 =	simm.s32 $0xB0;
	v14 =	vimm.f32 $0.0e+00;
	v15 =	vld.idx.msk [tilespmem:v24+s31+$0x0], $0xffff;
	v22 =	vor.u32 v63, v23;
	v21 =	vor.u32 v13, v21  }
.LBB2_7:
0xd3: {  	s22 =	sadd.s32 $0xFFFFFFF0, s21;
	v23 =	vmov s21;
	v24 =	vor.u32 s21, v0;
	v22 =	vor.u32 v13, v22;
	v19 =	vld.idx.msk [tilespmem:v19+s14+$0x0], $0xffff  }
0xd4: {  	s23 =	sadd.s32 $0xFFFFFFE0, s21;
	v25 =	vmov s22;
	v26 =	vor.u32 s22, v0;
	v23 =	vshll.u32 v23, $0x3;
	v17 =	vld.idx.msk [tilespmem:v17+s31+$0x0], $0xffff  }
0xd5: {  	s22 =	sadd.s32 $0xFFFFFFD0, s21;
	v27 =	vmov s23;
	v28 =	vor.u32 s23, v0;
	v14 =	vadd.f32 v16, v14;
	v16 =	vld.idx.msk [tilespmem:v20+s14+$0x0], $0xffff  }
0xd6: {  	v20 =	vmov s22;
	v29 =	vor.u32 s22, v0;
	v28 =	vand.u32 $0x5F, v28  }
0xd7: {  	v27 =	vshll.u32 v27, $0x3;
	v20 =	vshll.u32 v20, $0x3;
	v14 =	vadd.f32 v18, v14;
	v21 =	vld.idx.msk [tilespmem:v21+s31+$0x0], $0xffff  }
0xd8: {  	v18 =	vand.u32 $0x4F, v29;
	v27 =	vand.u32 $0x1C00, v27;
	v20 =	vand.u32 $0x1C00, v20;
	v22 =	vld.idx.msk [tilespmem:v22+s31+$0x0], $0xffff  }
0xd9: {  	v27 =	vor.u32 v27, v28;
	v28 =	vshll.u32 v15, $0x3;
	v14 =	vadd.f32 v19, v14  }
0xda: {  	v15 =	vand.u32 $0x7F, v15;
	v18 =	vor.u32 v20, v18;
	v19 =	vand.u32 $0xFFFFFC00, v28  }
0xdb: {  	v19 =	vadd.s32 v11, v19;
	v20 =	vshll.u32 v17, $0x3;
	v14 =	vadd.f32 v16, v14  }
0xdc: {  	s20 =	sadd.s32 $0x4, s20;
	v15 =	vor.u32 v15, v19;
	v16 =	vand.u32 $0x7F, v17;
	v17 =	vand.u32 $0xFFFFFC00, v20  }
0xdd: {  	p0 =	slt.u32 s20, $0x38;
	v15 =	vor.u32 v10, v15;
	v17 =	vadd.s32 v11, v17;
	v19 =	vshll.u32 v21, $0x3  }
0xde: {  	v16 =	vor.u32 v16, v17;
	v17 =	vand.u32 $0xFFFFFC00, v19;
	v19 =	vshll.u32 v22, $0x3  }
0xdf: {  	v28 =	vor.u32 v10, v16;
	v16 =	vand.u32 $0x7F, v21;
	v17 =	vadd.s32 v11, v17  }
0xe0: {  	v21 =	vor.u32 v13, v18;
	v16 =	vor.u32 v16, v17;
	v17 =	vand.u32 $0xFFFFFC00, v19  }
.Ltmp2:
0xe1: {  	v18 =	vand.u32 $0x7F, v22;
	v19 =	vor.u32 v10, v16;
	v20 =	vadd.s32 v11, v17;
	(pc) =	sbr.rel @p0 .LBB2_7-.Ltmp2, $4  }
0xe2: {  	v22 =	vshll.u32 v25, $0x3;
	v17 =	vor.u32 v13, v27;
	v16 =	vld.idx.msk [tilespmem:v15+s14+$0x0], $0xffff;
	v15 =	vor.u32 v18, v20  }
0xe3: {  	v22 =	vand.u32 $0x1C00, v22;
	v18 =	vand.u32 $0x6F, v26;
	v20 =	vor.u32 v10, v15  }
0xe4: {  	v24 =	vand.u32 $0x7F, v24;
	v23 =	vand.u32 $0x1C00, v23;
	v22 =	vor.u32 v22, v18;
	v18 =	vld.idx.msk [tilespmem:v28+s14+$0x0], $0xffff  }
0xe5: {  	s21 =	sadd.s32 $0x40, s21;
	v15 =	vld.idx.msk [tilespmem:v21+s31+$0x0], $0xffff;
	v21 =	vor.u32 v13, v22;
	v22 =	vor.u32 v23, v24  }
0xe6: {  	_ =	sdelay $0x3  }
0xe7: {  	v19 =	vld.idx.msk [tilespmem:v19+s14+$0x0], $0xffff  }
0xe8: {  	v12 =	vor.u32 v10, v12;
	v13 =	vor.u32 v13, v22;
	v17 =	vld.idx.msk [tilespmem:v17+s31+$0x0], $0xffff  }
0xe9: {  	v21 =	vld.idx.msk [tilespmem:v21+s31+$0x0], $0xffff;
	v14 =	vadd.f32 v16, v14;
	v12 =	vor.u32 $0x1C00, v12  }
0xea: {  	v44 =	vor.u32 v4, v12  }
0xeb: {  	v46 =	vor.u32 v6, v12;
	v14 =	vadd.f32 v18, v14  }
0xec: {  	v43 =	vld.idx.msk [tilespmem:v20+s14+$0x0], $0xffff;
	v12 =	vor.u32 v5, v12;
	v45 =	vshll.u32 v15, $0x3;
	v47 =	vand.u32 $0x7F, v15  }
0xed: {  	v14 =	vadd.f32 v19, v14;
	v18 =	vand.u32 $0xFFFFFC00, v45;
	v13 =	vld.idx.msk [tilespmem:v13+s31+$0x0], $0xffff;
	v48 =	vshll.u32 v17, $0x3  }
0xee: {  	v17 =	vand.u32 $0x7F, v17;
	v51 =	vshll.u32 v21, $0x3;
	v18 =	vadd.s32 v11, v18  }
0xef: {  	v52 =	vand.u32 $0x7F, v21;
	v50 =	vand.u32 $0xFFFFFC00, v48;
	v15 =	vor.u32 v47, v18;
	v49 =	vld.idx.msk [tilespmem:v44+s31+$0x0], $0xffff  }
0xf0: {  	v20 =	vand.u32 $0xFFFFFC00, v51;
	v18 =	vadd.s32 v11, v50;
	v19 =	vld.idx.msk [tilespmem:v46+s31+$0x0], $0xffff;
	v15 =	vor.u32 v10, v15  }
0xf1: {  	v14 =	vadd.f32 v43, v14;
	v20 =	vadd.s32 v11, v20;
	v12 =	vld.idx.msk [tilespmem:v12+s31+$0x0], $0xffff;
	v17 =	vor.u32 v17, v18  }
0xf2: {  	v18 =	vor.u32 v52, v20;
	v17 =	vor.u32 v10, v17;
	v53 =	vshll.u32 v13, $0x3  }
0xf3: {  	v18 =	vor.u32 v10, v18;
	v13 =	vand.u32 $0x7F, v13;
	v54 =	vand.u32 $0xFFFFFC00, v53  }
0xf4: {  	v55 =	vshll.u32 v49, $0x3;
	v20 =	vadd.s32 v11, v54;
	v16 =	vand.u32 $0x7F, v49  }
0xf5: {  	v57 =	vshll.u32 v19, $0x3;
	v21 =	vand.u32 $0xFFFFFC00, v55;
	v15 =	vld.idx.msk [tilespmem:v15+s14+$0x0], $0xffff;
	v13 =	vor.u32 v13, v20  }
0xf6: {  	v58 =	vshll.u32 v12, $0x3;
	v56 =	vadd.s32 v11, v21;
	v13 =	vor.u32 v10, v13  }
0xf7: {  	v19 =	vand.u32 $0x7F, v19;
	v20 =	vand.u32 $0xFFFFFC00, v57;
	v17 =	vld.idx.msk [tilespmem:v17+s14+$0x0], $0xffff;
	v16 =	vor.u32 v16, v56  }
0xf8: {  	v20 =	vadd.s32 v11, v20;
	v21 =	vand.u32 $0xFFFFFC00, v58;
	v16 =	vor.u32 v10, v16  }
0xf9: {  	v12 =	vand.u32 $0x7F, v12;
	v18 =	vld.idx.msk [tilespmem:v18+s14+$0x0], $0xffff;
	v19 =	vor.u32 v19, v20;
	v59 =	vadd.s32 v11, v21  }
0xfa: {  	v60 =	vor.u32 v10, v19;
	v12 =	vor.u32 v12, v59;
	v14 =	vadd.f32 v15, v14  }
0xfb: {  	v12 =	vor.u32 v10, v12;
	v13 =	vld.idx.msk [tilespmem:v13+s14+$0x0], $0xffff  }
0xfc: {  	v14 =	vadd.f32 v17, v14  }
0xfd: {  	v16 =	vld.idx.msk [tilespmem:v16+s14+$0x0], $0xffff  }
0xfe: {  	v14 =	vadd.f32 v18, v14  }
0xff: {  	v15 =	vld.idx.msk [tilespmem:v60+s14+$0x0], $0xffff  }
0x100: {  	v12 =	vld.idx.msk [tilespmem:v12+s14+$0x0], $0xffff;
	v13 =	vadd.f32 v13, v14;
	_ =	sdelay $0x1  }
0x101: {  	v13 =	vadd.f32 v16, v13  }
0x102: {  	v61 =	vor.u32 v0, v9  }
0x103: {  	v13 =	vadd.f32 v15, v13  }
0x104: {  	v12 =	vnsel vm1, $0x0, v12  }
0x105: {  	v12 =	vadd.f32 v12, v13;
	_ =	sdelay $0x1  }
0x106: {  	[tilespmem:v61+s15+$0x0] =	vst.idx.msk $0xffff, v12  }
0x107: {  	v12 =	vld.idx.msk [tilespmem:v61+s0+$0x0], $0xffff;
	_ =	sdelay $0x4  }
0x108: {  	v62 =	vshll.u32 v12, $0x3  }
0x109: {  	v13 =	vand.u32 $0xFFFFFC00, v62  }
0x10a: {  	v12 =	vand.u32 $0x7F, v12;
	v13 =	vadd.s32 v11, v13  }
0x10b: {  	v12 =	vor.u32 v12, v13  }
0x10c: {  	v12 =	vor.u32 v10, v12;
	_ =	sdelay $0x4  }
0x10d: {  	v12 =	vld.idx.msk [tilespmem:v12+s14+$0x0], $0xffff  }
0x10e: {  	v63 =	vor.u32 v7, v9;
	_ =	sdelay $0x3  }
0x10f: {  	[tilespmem:v61+s16+$0x0] =	vst.idx.msk $0xffff, v12  }
0x110: {  	v12 =	vld.idx.msk [tilespmem:v63+s0+$0x0], $0xffff;
	_ =	sdelay $0x4  }
0x111: {  	v13 =	vshll.u32 v12, $0x3  }
0x112: {  	v13 =	vand.u32 $0xFFFFFC00, v13  }
0x113: {  	v12 =	vand.u32 $0x7F, v12;
	v11 =	vadd.s32 v11, v13  }
0x114: {  	v11 =	vor.u32 v12, v11  }
0x115: {  	v10 =	vor.u32 v10, v11;
	_ =	sdelay $0x3  }
0x116: {  	s19 =	sadd.s32 $0x1, s19  }
0x117: {  	v9 =	vor.u32 v8, v9;
	p0 =	sne.s32 s19, $0x20;
	v10 =	vld.idx.msk [tilespmem:v10+s14+$0x0], $0xffff  }
.Ltmp3:
0x118: {  	_ = 	snop;
	(pc) =	sbr.rel @p0 .LBB2_6-.Ltmp3, $2  }
0x119: {  	_ =	sdelay $0x2  }
0x11a: {  	[tilespmem:v9+s16+$0x0] =	vst.idx.msk $0xffff, v10  }
0x11b: {  	[hbm4b:s10+s2] =	stream.linear.scatter [tilespmem:s15], [sflag:$0x3], $0x1000, $0x38;
	[tilespmem:$0x13080] =	vst v63  }
0x11c: {  	s18 =	sadd.s32 $0x1, s18;
	_ =	swait.ge [sflag:s13], $0x1000  }
0x11d: {  	p0 =	sne.s32 s18, s12;
	[sflag:s13] =	ssyncset.done $0x0  }
.Ltmp4:
0x11e: {  	[sflag:s13] =	ssyncadd.s32 $0xFFFFF000;
	(pc) =	sbr.rel @p0 .LBB2_1-.Ltmp4, $4  }
0x11f: {  	[hbm4b:s11+s2] =	stream.linear.scatter [tilespmem:s16], [sflag:$0x3], $0x1000, $0x38;
	[tilespmem:$0x13080] =	vst v63  }
0x120: {  	_ =	swait.ge [sflag:s13], $0x1000  }
0x121: {  	[sflag:s13] =	ssyncset.done $0x0  }
0x122: {  	[sflag:s13] =	ssyncadd.s32 $0xFFFFF000  }
0x123: {  	_ =	sfence.sel $0x180000  }
0x124: {  	[bflag:$0x0] =	sbarrier.arrive $0xFFFF  }
0x125: {  	_ =	strace $0x90000047  }
0x126: {  	s0 =	stileid.u32;
	[bflag:$0x2] =	sbarrier.arrive $0xFFFF  }
0x127: {  	p0 =	sne.s32 s0, $0x0;
	s0 =	rddreg [dreg:$0x2]  }
0x128: {  	s0 =	sadd.s32 @!p0 $0x100000, s0  }
0x129: {  	[sflag:s0] =	ssyncadd.tile.s32 @!p0 $0x1;
	_ =	shalt  }
.Lfunc_end2:
_tile_overlayer_lowered:
.L_overlay_start_2:
0x12a: {  	(tag) =	ssettag $0x2  }
0x12b: {  	s0 =	rddreg [dreg:$0x0];
	s2 =	stileid.u32  }
0x12c: {  	s1 =	rddreg [dreg:$0x1];
	p0 =	sne.s32 s2, $0x0  }
0x12d: {  	s3 =	rddreg [dreg:$0x2];
	[bflag:$0x3] =	sbarrier.arrive $0xFFFF;
	s2 =	simm.s32 @!p0 $0x1C03  }
0x12e: {  	[timem:s3], [sflag:s2] =	dma.local @!p0 [hbm:s0], s1  }
0x12f: {  	s0 =	simm.s32 @!p0 $0x3  }
0x130: {  	_ =	swait.ge @!p0 [sflag:s0], s1  }
0x131: {  	s1 =	ssub.s32 @!p0 $0x0, s1;
	[sflag:s0] =	ssyncset.done @!p0 $0x0  }
0x132: {  	[sflag:s0] =	ssyncadd.s32 @!p0 s1  }
0x133: {  	[bflag:$0x3] =	sbarrier.arrive $0xFFFF  }
0x134: {  	_ =	shalt  }

</sc_bundles>
